<compile_context>
chip_gen: v7x
topology: tpu7x:2x2x1
jax: 0.10.2.dev20260603
libtpu: 0.0.44.dev20260713+nightly
codegen_flags: <defaults>
</compile_context>

<pallas_src>
import functools

import jax
import jax.numpy as jnp
from jax import lax
from jax.experimental import pallas as pl
from jax.experimental.pallas import tpu as pltpu
from jax.experimental.pallas import tpu_sc as plsc

_VOCAB = 1000000
_EMSIZE = 64
_PADE = 128
_BATCH = 4096
_SEQLEN = 200

_N = _BATCH * _SEQLEN

_info = plsc.get_sparse_core_info()
_NC, _NS = _info.num_cores, _info.num_subcores
_NW = _NC * _NS
_RPW = _N // _NW

_K = 128
_NB = 4
_CPW = _RPW // _K


def _make_gather():
    mesh = plsc.VectorSubcoreMesh(core_axis_name="c", subcore_axis_name="s")

    @functools.partial(
        pl.kernel,
        mesh=mesh,
        out_type=jax.ShapeDtypeStruct((_N, _PADE), jnp.float32),
        scratch_types=[
            pltpu.VMEM((_RPW,), jnp.int32),
            [pltpu.VMEM((_K, _PADE), jnp.float32) for _ in range(_NB)],
            pltpu.SemaphoreType.DMA((_NB,)),
            pltpu.SemaphoreType.DMA((_NB,)),
        ],
        compiler_params=pltpu.CompilerParams(use_tc_tiling_on_sc=True),
    )
    def gather_kernel(table_hbm, idx_hbm, out_hbm, idx_v, bufs, gsem, wsem):
        wid = lax.axis_index("s") * _NC + lax.axis_index("c")
        row0 = wid * _RPW
        pltpu.sync_copy(idx_hbm.at[pl.ds(row0, _RPW)], idx_v)

        for b in range(_NB):
            pltpu.async_copy(
                table_hbm.at[idx_v.at[pl.ds(b * _K, _K)]],
                bufs[b],
                gsem.at[b],
            )

        def body(i, carry):
            for b in range(_NB):
                g = i * _NB + b
                pltpu.make_async_copy(
                    table_hbm.at[idx_v.at[pl.ds(g * _K, _K)]],
                    bufs[b],
                    gsem.at[b],
                ).wait()
                pltpu.async_copy(
                    bufs[b],
                    out_hbm.at[pl.ds(row0 + g * _K, _K)],
                    wsem.at[b],
                )
            for b in range(_NB):
                gnext = jnp.minimum((i + 1) * _NB + b, _CPW - 1)
                pltpu.make_async_copy(
                    bufs[b], out_hbm.at[pl.ds(0, _K)], wsem.at[b]
                ).wait()
                pltpu.async_copy(
                    table_hbm.at[idx_v.at[pl.ds(gnext * _K, _K)]],
                    bufs[b],
                    gsem.at[b],
                )
            return carry

        lax.fori_loop(0, _CPW // _NB, body, 0)

        for b in range(_NB):
            pltpu.make_async_copy(
                table_hbm.at[idx_v.at[pl.ds(0, _K)]],
                bufs[b],
                gsem.at[b],
            ).wait()

    return gather_kernel


_gather = _make_gather()


_TBC = 38400


def _make_padder():
    def body(in_ref, out_ref):
        out_ref[:, :_EMSIZE] = jnp.transpose(in_ref[...])

    return pl.pallas_call(
        body,
        grid=((_VOCAB + _TBC - 1) // _TBC,),
        in_specs=[pl.BlockSpec((_EMSIZE, _TBC), lambda i: (0, i))],
        out_specs=pl.BlockSpec((_TBC, _PADE), lambda i: (i, 0)),
        out_shape=jax.ShapeDtypeStruct((_VOCAB, _PADE), jnp.float32),
        compiler_params=pltpu.CompilerParams(vmem_limit_bytes=128 * 1024 * 1024),
    )


_padder = _make_padder()


def kernel(sequence, table):
    idx = sequence.astype(jnp.int32).reshape(_N)
    table_pad = _padder(table.T)
    out = _gather(table_pad, idx)
    return out[:, :_EMSIZE].reshape(_BATCH, _SEQLEN, _EMSIZE)

# --- scband reference (transcript-rebuilt; emitter-appended) ---
"""Pipeline reference for scband-embedder-14173392076882 (READ-ONLY COPY).

The authoritative reference and input builder live on the scoring server;
editing this copy changes nothing except your own understanding.
"""

import jax, jax.numpy as jnp
import numpy as np

PAD = 0
VOCAB = 1000000
EMSIZE = 64
BATCH = 4096
SEQLEN = 200

def setup_inputs(seed: int = 0) -> dict:
    key = jax.random.key(seed)
    k_idx, k_tab = jax.random.split(key)
    sequence = jax.random.randint(k_idx, (BATCH, SEQLEN), 0, VOCAB, dtype=jnp.int64 if jax.config.jax_enable_x64 else jnp.int32)
    table = jax.random.normal(k_tab, (VOCAB, EMSIZE), dtype=jnp.float32)
    # padding_idx row is initialized to zero in nn.Embedding(padding_idx=PAD)
    table = table.at[PAD].set(0.0)
    return {"sequence": sequence, "table": table}

def reference(sequence, table):
    # Embedder.forward: word_embeddings(sequence.unsqueeze(2)) -> [B, L, emsize]
    # unsqueeze(2) then lookup on the single-feature axis reduces to a plain
    # embedding lookup of shape [B, L, emsize].
    word_rep = jnp.take(table, sequence, axis=0)
    # dropout in eval mode is identity (inference reference)
    return word_rep

if __name__ == "__main__":
    import jax
    _d = setup_inputs()
    print(jax.jit(kernel)(*tuple(_d.values())))

</pallas_src>

<mosaic_0001>
#map = affine_map<(d0, d1) -> (0, 0)>
#map1 = affine_map<(d0, d1) -> (0)>
module attributes {stable_mosaic.version = 14 : i64} {
  func.func @gather_kernel(%arg0: i32, %arg1: i32, %arg2: memref<1000000x128xf32, #tpu.memory_space<hbm>>, %arg3: memref<819200xi32, #tpu.memory_space<hbm>>, %arg4: memref<819200x128xf32, #tpu.memory_space<hbm>>, %arg5: memref<25600xi32, #tpu.memory_space<vmem>>, %arg6: memref<128x128xf32, #tpu.memory_space<vmem>>, %arg7: memref<128x128xf32, #tpu.memory_space<vmem>>, %arg8: memref<128x128xf32, #tpu.memory_space<vmem>>, %arg9: memref<128x128xf32, #tpu.memory_space<vmem>>, %arg10: memref<4x!tpu.dma_semaphore, #tpu.memory_space<semaphore_mem>>, %arg11: memref<4x!tpu.dma_semaphore, #tpu.memory_space<semaphore_mem>>) attributes {dimension_semantics = [#tpu.dimension_semantics<core_parallel>, #tpu.dimension_semantics<subcore_parallel>], iteration_bounds = array<i64: 2, 16>, scalar_prefetch = 0 : i64, scratch_operands = 7 : i64, tpu.core_type = #tpu.core_type<sc_vector_subcore>, window_params = [{transform_indices = #map}, {transform_indices = #map1}, {transform_indices = #map}]} {
    %mul3A = arith.constant 2 : i32
    %mul3A_0 = arith.muli %arg1, %mul3A : i32
    %add3A = arith.addi %mul3A_0, %arg0 : i32
    %mul3A_1 = arith.constant 25600 : i32
    %mul3A_2 = arith.muli %add3A, %mul3A_1 : i32
    "tpu.region"() ({
      %run_scoped3A = tpu.sem_alloc : memref<!tpu.dma_semaphore, #tpu.memory_space<semaphore_mem>>
      %dma_start3A_70 = tpu.memref_slice %arg3[%mul3A_2] : memref<819200xi32, #tpu.memory_space<hbm>> -> memref<25600xi32, #tpu.memory_space<hbm>>
      %dma_start3A_71 = tpu.memref_slice %arg3[%mul3A_2] : memref<819200xi32, #tpu.memory_space<hbm>> -> memref<25600xi32, #tpu.memory_space<hbm>>
      tpu.enqueue_dma source(%dma_start3A_71 : memref<25600xi32, #tpu.memory_space<hbm>>) target(%arg5 : memref<25600xi32, #tpu.memory_space<vmem>>) target_semaphore(%run_scoped3A : memref<!tpu.dma_semaphore, #tpu.memory_space<semaphore_mem>>)
      %dma_wait3A_72 = tpu.memref_slice %arg3[%mul3A_2] : memref<819200xi32, #tpu.memory_space<hbm>> -> memref<25600xi32, #tpu.memory_space<hbm>>
      %dma_wait3A_73 = tpu.memref_slice %arg3[%mul3A_2] : memref<819200xi32, #tpu.memory_space<hbm>> -> memref<25600xi32, #tpu.memory_space<hbm>>
      tpu.wait_dma2 semaphore(%run_scoped3A : memref<!tpu.dma_semaphore, #tpu.memory_space<semaphore_mem>>) src(%dma_wait3A_73 : memref<25600xi32, #tpu.memory_space<hbm>>) dst(%arg5 : memref<25600xi32, #tpu.memory_space<vmem>>)
      tpu.yield
    }) : () -> ()
    %dma_start3A = arith.constant 0 : i32
    %dma_start3A_3 = arith.constant 0 : i32
    %dma_start3A_4 = tpu.memref_slice %arg5[%dma_start3A_3] : memref<25600xi32, #tpu.memory_space<vmem>> -> memref<128xi32, #tpu.memory_space<vmem>>
    %dma_start3A_5 = arith.constant 0 : i32
    %dma_start3A_6 = arith.constant 0 : i32
    %dma_start3A_7 = tpu.memref_slice %arg2[%dma_start3A_5, %dma_start3A_6] : memref<1000000x128xf32, #tpu.memory_space<hbm>> -> memref<1000000x128xf32, #tpu.memory_space<hbm>>
    %dma_start3A_8 = tpu.memref_slice %arg10[%dma_start3A] : memref<4x!tpu.dma_semaphore, #tpu.memory_space<semaphore_mem>> -> memref<1x!tpu.dma_semaphore, #tpu.memory_space<semaphore_mem>>
    %dma_start3A_9 = tpu.memref_squeeze %dma_start3A_8 : memref<1x!tpu.dma_semaphore, #tpu.memory_space<semaphore_mem>> -> memref<!tpu.dma_semaphore, #tpu.memory_space<semaphore_mem>>
    tpu.enqueue_indirect_dma source(%dma_start3A_7 : memref<1000000x128xf32, #tpu.memory_space<hbm>>) target(%arg6 : memref<128x128xf32, #tpu.memory_space<vmem>>) offsets(%dma_start3A_4 : memref<128xi32, #tpu.memory_space<vmem>>) semaphore(%dma_start3A_9 : memref<!tpu.dma_semaphore, #tpu.memory_space<semaphore_mem>>)
    %dma_start3A_10 = arith.constant 1 : i32
    %dma_start3A_11 = arith.constant 128 : i32
    %dma_start3A_12 = tpu.memref_slice %arg5[%dma_start3A_11] : memref<25600xi32, #tpu.memory_space<vmem>> -> memref<128xi32, #tpu.memory_space<vmem>>
    %dma_start3A_13 = arith.constant 0 : i32
    %dma_start3A_14 = arith.constant 0 : i32
    %dma_start3A_15 = tpu.memref_slice %arg2[%dma_start3A_13, %dma_start3A_14] : memref<1000000x128xf32, #tpu.memory_space<hbm>> -> memref<1000000x128xf32, #tpu.memory_space<hbm>>
    %dma_start3A_16 = tpu.memref_slice %arg10[%dma_start3A_10] : memref<4x!tpu.dma_semaphore, #tpu.memory_space<semaphore_mem>> -> memref<1x!tpu.dma_semaphore, #tpu.memory_space<semaphore_mem>>
    %dma_start3A_17 = tpu.memref_squeeze %dma_start3A_16 : memref<1x!tpu.dma_semaphore, #tpu.memory_space<semaphore_mem>> -> memref<!tpu.dma_semaphore, #tpu.memory_space<semaphore_mem>>
    tpu.enqueue_indirect_dma source(%dma_start3A_15 : memref<1000000x128xf32, #tpu.memory_space<hbm>>) target(%arg7 : memref<128x128xf32, #tpu.memory_space<vmem>>) offsets(%dma_start3A_12 : memref<128xi32, #tpu.memory_space<vmem>>) semaphore(%dma_start3A_17 : memref<!tpu.dma_semaphore, #tpu.memory_space<semaphore_mem>>)
    %dma_start3A_18 = arith.constant 2 : i32
    %dma_start3A_19 = arith.constant 256 : i32
    %dma_start3A_20 = tpu.memref_slice %arg5[%dma_start3A_19] : memref<25600xi32, #tpu.memory_space<vmem>> -> memref<128xi32, #tpu.memory_space<vmem>>
    %dma_start3A_21 = arith.constant 0 : i32
    %dma_start3A_22 = arith.constant 0 : i32
    %dma_start3A_23 = tpu.memref_slice %arg2[%dma_start3A_21, %dma_start3A_22] : memref<1000000x128xf32, #tpu.memory_space<hbm>> -> memref<1000000x128xf32, #tpu.memory_space<hbm>>
    %dma_start3A_24 = tpu.memref_slice %arg10[%dma_start3A_18] : memref<4x!tpu.dma_semaphore, #tpu.memory_space<semaphore_mem>> -> memref<1x!tpu.dma_semaphore, #tpu.memory_space<semaphore_mem>>
    %dma_start3A_25 = tpu.memref_squeeze %dma_start3A_24 : memref<1x!tpu.dma_semaphore, #tpu.memory_space<semaphore_mem>> -> memref<!tpu.dma_semaphore, #tpu.memory_space<semaphore_mem>>
    tpu.enqueue_indirect_dma source(%dma_start3A_23 : memref<1000000x128xf32, #tpu.memory_space<hbm>>) target(%arg8 : memref<128x128xf32, #tpu.memory_space<vmem>>) offsets(%dma_start3A_20 : memref<128xi32, #tpu.memory_space<vmem>>) semaphore(%dma_start3A_25 : memref<!tpu.dma_semaphore, #tpu.memory_space<semaphore_mem>>)
    %dma_start3A_26 = arith.constant 3 : i32
    %dma_start3A_27 = arith.constant 384 : i32
    %dma_start3A_28 = tpu.memref_slice %arg5[%dma_start3A_27] : memref<25600xi32, #tpu.memory_space<vmem>> -> memref<128xi32, #tpu.memory_space<vmem>>
    %dma_start3A_29 = arith.constant 0 : i32
    %dma_start3A_30 = arith.constant 0 : i32
    %dma_start3A_31 = tpu.memref_slice %arg2[%dma_start3A_29, %dma_start3A_30] : memref<1000000x128xf32, #tpu.memory_space<hbm>> -> memref<1000000x128xf32, #tpu.memory_space<hbm>>
    %dma_start3A_32 = tpu.memref_slice %arg10[%dma_start3A_26] : memref<4x!tpu.dma_semaphore, #tpu.memory_space<semaphore_mem>> -> memref<1x!tpu.dma_semaphore, #tpu.memory_space<semaphore_mem>>
    %dma_start3A_33 = tpu.memref_squeeze %dma_start3A_32 : memref<1x!tpu.dma_semaphore, #tpu.memory_space<semaphore_mem>> -> memref<!tpu.dma_semaphore, #tpu.memory_space<semaphore_mem>>
    tpu.enqueue_indirect_dma source(%dma_start3A_31 : memref<1000000x128xf32, #tpu.memory_space<hbm>>) target(%arg9 : memref<128x128xf32, #tpu.memory_space<vmem>>) offsets(%dma_start3A_28 : memref<128xi32, #tpu.memory_space<vmem>>) semaphore(%dma_start3A_33 : memref<!tpu.dma_semaphore, #tpu.memory_space<semaphore_mem>>)
    %scan3A = arith.constant 0 : i32
    %scan3A_34 = arith.constant 0 : i32
    %scan3A_35 = arith.constant 50 : i32
    %scan3A_36 = arith.addi %scan3A_34, %scan3A_35 : i32
    %scan3A_37 = arith.constant 1 : i32
    scf.for %scan3A_70 = %scan3A_34 to %scan3A_36 step %scan3A_37  : i32 {
      %mul3A_71 = arith.constant 4 : i32
      %mul3A_72 = arith.muli %scan3A_70, %mul3A_71 : i32
      %add3A_73 = arith.constant 0 : i32
      %add3A_74 = arith.addi %mul3A_72, %add3A_73 : i32
      %mul3A_75 = arith.constant 128 : i32
      %mul3A_76 = arith.muli %add3A_74, %mul3A_75 : i32
      %dma_wait3A_77 = arith.constant 0 : i32
      %dma_wait3A_78 = tpu.memref_slice %arg5[%mul3A_76] : memref<25600xi32, #tpu.memory_space<vmem>> -> memref<128xi32, #tpu.memory_space<vmem>>
      %dma_wait3A_79 = arith.constant 0 : i32
      %dma_wait3A_80 = arith.constant 0 : i32
      %dma_wait3A_81 = tpu.memref_slice %arg2[%dma_wait3A_79, %dma_wait3A_80] : memref<1000000x128xf32, #tpu.memory_space<hbm>> -> memref<1000000x128xf32, #tpu.memory_space<hbm>>
      %dma_wait3A_82 = tpu.memref_slice %arg10[%dma_wait3A_77] : memref<4x!tpu.dma_semaphore, #tpu.memory_space<semaphore_mem>> -> memref<1x!tpu.dma_semaphore, #tpu.memory_space<semaphore_mem>>
      %dma_wait3A_83 = tpu.memref_squeeze %dma_wait3A_82 : memref<1x!tpu.dma_semaphore, #tpu.memory_space<semaphore_mem>> -> memref<!tpu.dma_semaphore, #tpu.memory_space<semaphore_mem>>
      tpu.wait_indirect_dma semaphore(%dma_wait3A_83 : memref<!tpu.dma_semaphore, #tpu.memory_space<semaphore_mem>>) src(%dma_wait3A_81 : memref<1000000x128xf32, #tpu.memory_space<hbm>>) dst(%arg6 : memref<128x128xf32, #tpu.memory_space<vmem>>)
      %mul3A_84 = arith.constant 128 : i32
      %mul3A_85 = arith.muli %add3A_74, %mul3A_84 : i32
      %add3A_86 = arith.addi %mul3A_2, %mul3A_85 : i32
      %dma_start3A_87 = arith.constant 0 : i32
      %dma_start3A_88 = arith.constant 0 : i32
      %dma_start3A_89 = tpu.memref_slice %arg4[%add3A_86, %dma_start3A_88] : memref<819200x128xf32, #tpu.memory_space<hbm>> -> memref<128x128xf32, #tpu.memory_space<hbm>>
      %dma_start3A_90 = tpu.memref_slice %arg11[%dma_start3A_87] : memref<4x!tpu.dma_semaphore, #tpu.memory_space<semaphore_mem>> -> memref<1x!tpu.dma_semaphore, #tpu.memory_space<semaphore_mem>>
      %dma_start3A_91 = tpu.memref_squeeze %dma_start3A_90 : memref<1x!tpu.dma_semaphore, #tpu.memory_space<semaphore_mem>> -> memref<!tpu.dma_semaphore, #tpu.memory_space<semaphore_mem>>
      %dma_start3A_92 = arith.constant 0 : i32
      %dma_start3A_93 = tpu.memref_slice %arg4[%add3A_86, %dma_start3A_92] : memref<819200x128xf32, #tpu.memory_space<hbm>> -> memref<128x128xf32, #tpu.memory_space<hbm>>
      tpu.enqueue_dma source(%arg6 : memref<128x128xf32, #tpu.memory_space<vmem>>) target(%dma_start3A_93 : memref<128x128xf32, #tpu.memory_space<hbm>>) target_semaphore(%dma_start3A_91 : memref<!tpu.dma_semaphore, #tpu.memory_space<semaphore_mem>>)
      %mul3A_94 = arith.constant 4 : i32
      %mul3A_95 = arith.muli %scan3A_70, %mul3A_94 : i32
      %add3A_96 = arith.constant 1 : i32
      %add3A_97 = arith.addi %mul3A_95, %add3A_96 : i32
      %mul3A_98 = arith.constant 128 : i32
      %mul3A_99 = arith.muli %add3A_97, %mul3A_98 : i32
      %dma_wait3A_100 = arith.constant 1 : i32
      %dma_wait3A_101 = tpu.memref_slice %arg5[%mul3A_99] : memref<25600xi32, #tpu.memory_space<vmem>> -> memref<128xi32, #tpu.memory_space<vmem>>
      %dma_wait3A_102 = arith.constant 0 : i32
      %dma_wait3A_103 = arith.constant 0 : i32
      %dma_wait3A_104 = tpu.memref_slice %arg2[%dma_wait3A_102, %dma_wait3A_103] : memref<1000000x128xf32, #tpu.memory_space<hbm>> -> memref<1000000x128xf32, #tpu.memory_space<hbm>>
      %dma_wait3A_105 = tpu.memref_slice %arg10[%dma_wait3A_100] : memref<4x!tpu.dma_semaphore, #tpu.memory_space<semaphore_mem>> -> memref<1x!tpu.dma_semaphore, #tpu.memory_space<semaphore_mem>>
      %dma_wait3A_106 = tpu.memref_squeeze %dma_wait3A_105 : memref<1x!tpu.dma_semaphore, #tpu.memory_space<semaphore_mem>> -> memref<!tpu.dma_semaphore, #tpu.memory_space<semaphore_mem>>
      tpu.wait_indirect_dma semaphore(%dma_wait3A_106 : memref<!tpu.dma_semaphore, #tpu.memory_space<semaphore_mem>>) src(%dma_wait3A_104 : memref<1000000x128xf32, #tpu.memory_space<hbm>>) dst(%arg7 : memref<128x128xf32, #tpu.memory_space<vmem>>)
      %mul3A_107 = arith.constant 128 : i32
      %mul3A_108 = arith.muli %add3A_97, %mul3A_107 : i32
      %add3A_109 = arith.addi %mul3A_2, %mul3A_108 : i32
      %dma_start3A_110 = arith.constant 1 : i32
      %dma_start3A_111 = arith.constant 0 : i32
      %dma_start3A_112 = tpu.memref_slice %arg4[%add3A_109, %dma_start3A_111] : memref<819200x128xf32, #tpu.memory_space<hbm>> -> memref<128x128xf32, #tpu.memory_space<hbm>>
      %dma_start3A_113 = tpu.memref_slice %arg11[%dma_start3A_110] : memref<4x!tpu.dma_semaphore, #tpu.memory_space<semaphore_mem>> -> memref<1x!tpu.dma_semaphore, #tpu.memory_space<semaphore_mem>>
      %dma_start3A_114 = tpu.memref_squeeze %dma_start3A_113 : memref<1x!tpu.dma_semaphore, #tpu.memory_space<semaphore_mem>> -> memref<!tpu.dma_semaphore, #tpu.memory_space<semaphore_mem>>
      %dma_start3A_115 = arith.constant 0 : i32
      %dma_start3A_116 = tpu.memref_slice %arg4[%add3A_109, %dma_start3A_115] : memref<819200x128xf32, #tpu.memory_space<hbm>> -> memref<128x128xf32, #tpu.memory_space<hbm>>
      tpu.enqueue_dma source(%arg7 : memref<128x128xf32, #tpu.memory_space<vmem>>) target(%dma_start3A_116 : memref<128x128xf32, #tpu.memory_space<hbm>>) target_semaphore(%dma_start3A_114 : memref<!tpu.dma_semaphore, #tpu.memory_space<semaphore_mem>>)
      %mul3A_117 = arith.constant 4 : i32
      %mul3A_118 = arith.muli %scan3A_70, %mul3A_117 : i32
      %add3A_119 = arith.constant 2 : i32
      %add3A_120 = arith.addi %mul3A_118, %add3A_119 : i32
      %mul3A_121 = arith.constant 128 : i32
      %mul3A_122 = arith.muli %add3A_120, %mul3A_121 : i32
      %dma_wait3A_123 = arith.constant 2 : i32
      %dma_wait3A_124 = tpu.memref_slice %arg5[%mul3A_122] : memref<25600xi32, #tpu.memory_space<vmem>> -> memref<128xi32, #tpu.memory_space<vmem>>
      %dma_wait3A_125 = arith.constant 0 : i32
      %dma_wait3A_126 = arith.constant 0 : i32
      %dma_wait3A_127 = tpu.memref_slice %arg2[%dma_wait3A_125, %dma_wait3A_126] : memref<1000000x128xf32, #tpu.memory_space<hbm>> -> memref<1000000x128xf32, #tpu.memory_space<hbm>>
      %dma_wait3A_128 = tpu.memref_slice %arg10[%dma_wait3A_123] : memref<4x!tpu.dma_semaphore, #tpu.memory_space<semaphore_mem>> -> memref<1x!tpu.dma_semaphore, #tpu.memory_space<semaphore_mem>>
      %dma_wait3A_129 = tpu.memref_squeeze %dma_wait3A_128 : memref<1x!tpu.dma_semaphore, #tpu.memory_space<semaphore_mem>> -> memref<!tpu.dma_semaphore, #tpu.memory_space<semaphore_mem>>
      tpu.wait_indirect_dma semaphore(%dma_wait3A_129 : memref<!tpu.dma_semaphore, #tpu.memory_space<semaphore_mem>>) src(%dma_wait3A_127 : memref<1000000x128xf32, #tpu.memory_space<hbm>>) dst(%arg8 : memref<128x128xf32, #tpu.memory_space<vmem>>)
      %mul3A_130 = arith.constant 128 : i32
      %mul3A_131 = arith.muli %add3A_120, %mul3A_130 : i32
      %add3A_132 = arith.addi %mul3A_2, %mul3A_131 : i32
      %dma_start3A_133 = arith.constant 2 : i32
      %dma_start3A_134 = arith.constant 0 : i32
      %dma_start3A_135 = tpu.memref_slice %arg4[%add3A_132, %dma_start3A_134] : memref<819200x128xf32, #tpu.memory_space<hbm>> -> memref<128x128xf32, #tpu.memory_space<hbm>>
      %dma_start3A_136 = tpu.memref_slice %arg11[%dma_start3A_133] : memref<4x!tpu.dma_semaphore, #tpu.memory_space<semaphore_mem>> -> memref<1x!tpu.dma_semaphore, #tpu.memory_space<semaphore_mem>>
      %dma_start3A_137 = tpu.memref_squeeze %dma_start3A_136 : memref<1x!tpu.dma_semaphore, #tpu.memory_space<semaphore_mem>> -> memref<!tpu.dma_semaphore, #tpu.memory_space<semaphore_mem>>
      %dma_start3A_138 = arith.constant 0 : i32
      %dma_start3A_139 = tpu.memref_slice %arg4[%add3A_132, %dma_start3A_138] : memref<819200x128xf32, #tpu.memory_space<hbm>> -> memref<128x128xf32, #tpu.memory_space<hbm>>
      tpu.enqueue_dma source(%arg8 : memref<128x128xf32, #tpu.memory_space<vmem>>) target(%dma_start3A_139 : memref<128x128xf32, #tpu.memory_space<hbm>>) target_semaphore(%dma_start3A_137 : memref<!tpu.dma_semaphore, #tpu.memory_space<semaphore_mem>>)
      %mul3A_140 = arith.constant 4 : i32
      %mul3A_141 = arith.muli %scan3A_70, %mul3A_140 : i32
      %add3A_142 = arith.constant 3 : i32
      %add3A_143 = arith.addi %mul3A_141, %add3A_142 : i32
      %mul3A_144 = arith.constant 128 : i32
      %mul3A_145 = arith.muli %add3A_143, %mul3A_144 : i32
      %dma_wait3A_146 = arith.constant 3 : i32
      %dma_wait3A_147 = tpu.memref_slice %arg5[%mul3A_145] : memref<25600xi32, #tpu.memory_space<vmem>> -> memref<128xi32, #tpu.memory_space<vmem>>
      %dma_wait3A_148 = arith.constant 0 : i32
      %dma_wait3A_149 = arith.constant 0 : i32
      %dma_wait3A_150 = tpu.memref_slice %arg2[%dma_wait3A_148, %dma_wait3A_149] : memref<1000000x128xf32, #tpu.memory_space<hbm>> -> memref<1000000x128xf32, #tpu.memory_space<hbm>>
      %dma_wait3A_151 = tpu.memref_slice %arg10[%dma_wait3A_146] : memref<4x!tpu.dma_semaphore, #tpu.memory_space<semaphore_mem>> -> memref<1x!tpu.dma_semaphore, #tpu.memory_space<semaphore_mem>>
      %dma_wait3A_152 = tpu.memref_squeeze %dma_wait3A_151 : memref<1x!tpu.dma_semaphore, #tpu.memory_space<semaphore_mem>> -> memref<!tpu.dma_semaphore, #tpu.memory_space<semaphore_mem>>
      tpu.wait_indirect_dma semaphore(%dma_wait3A_152 : memref<!tpu.dma_semaphore, #tpu.memory_space<semaphore_mem>>) src(%dma_wait3A_150 : memref<1000000x128xf32, #tpu.memory_space<hbm>>) dst(%arg9 : memref<128x128xf32, #tpu.memory_space<vmem>>)
      %mul3A_153 = arith.constant 128 : i32
      %mul3A_154 = arith.muli %add3A_143, %mul3A_153 : i32
      %add3A_155 = arith.addi %mul3A_2, %mul3A_154 : i32
      %dma_start3A_156 = arith.constant 3 : i32
      %dma_start3A_157 = arith.constant 0 : i32
      %dma_start3A_158 = tpu.memref_slice %arg4[%add3A_155, %dma_start3A_157] : memref<819200x128xf32, #tpu.memory_space<hbm>> -> memref<128x128xf32, #tpu.memory_space<hbm>>
      %dma_start3A_159 = tpu.memref_slice %arg11[%dma_start3A_156] : memref<4x!tpu.dma_semaphore, #tpu.memory_space<semaphore_mem>> -> memref<1x!tpu.dma_semaphore, #tpu.memory_space<semaphore_mem>>
      %dma_start3A_160 = tpu.memref_squeeze %dma_start3A_159 : memref<1x!tpu.dma_semaphore, #tpu.memory_space<semaphore_mem>> -> memref<!tpu.dma_semaphore, #tpu.memory_space<semaphore_mem>>
      %dma_start3A_161 = arith.constant 0 : i32
      %dma_start3A_162 = tpu.memref_slice %arg4[%add3A_155, %dma_start3A_161] : memref<819200x128xf32, #tpu.memory_space<hbm>> -> memref<128x128xf32, #tpu.memory_space<hbm>>
      tpu.enqueue_dma source(%arg9 : memref<128x128xf32, #tpu.memory_space<vmem>>) target(%dma_start3A_162 : memref<128x128xf32, #tpu.memory_space<hbm>>) target_semaphore(%dma_start3A_160 : memref<!tpu.dma_semaphore, #tpu.memory_space<semaphore_mem>>)
      %add3A_163 = arith.constant 1 : i32
      %add3A_164 = arith.addi %scan3A_70, %add3A_163 : i32
      %mul3A_165 = arith.constant 4 : i32
      %mul3A_166 = arith.muli %add3A_164, %mul3A_165 : i32
      %add3A_167 = arith.constant 0 : i32
      %add3A_168 = arith.addi %mul3A_166, %add3A_167 : i32
      %min3A = arith.constant 199 : i32
      %min3A_169 = arith.minsi %add3A_168, %min3A : i32
      %dma_wait3A_170 = arith.constant 0 : i32
      %dma_wait3A_171 = arith.constant 0 : i32
      %dma_wait3A_172 = arith.constant 0 : i32
      %dma_wait3A_173 = tpu.memref_slice %arg4[%dma_wait3A_171, %dma_wait3A_172] : memref<819200x128xf32, #tpu.memory_space<hbm>> -> memref<128x128xf32, #tpu.memory_space<hbm>>
      %dma_wait3A_174 = tpu.memref_slice %arg11[%dma_wait3A_170] : memref<4x!tpu.dma_semaphore, #tpu.memory_space<semaphore_mem>> -> memref<1x!tpu.dma_semaphore, #tpu.memory_space<semaphore_mem>>
      %dma_wait3A_175 = tpu.memref_squeeze %dma_wait3A_174 : memref<1x!tpu.dma_semaphore, #tpu.memory_space<semaphore_mem>> -> memref<!tpu.dma_semaphore, #tpu.memory_space<semaphore_mem>>
      %dma_wait3A_176 = arith.constant 0 : i32
      %dma_wait3A_177 = arith.constant 0 : i32
      %dma_wait3A_178 = tpu.memref_slice %arg4[%dma_wait3A_176, %dma_wait3A_177] : memref<819200x128xf32, #tpu.memory_space<hbm>> -> memref<128x128xf32, #tpu.memory_space<hbm>>
      tpu.wait_dma2 semaphore(%dma_wait3A_175 : memref<!tpu.dma_semaphore, #tpu.memory_space<semaphore_mem>>) src(%arg6 : memref<128x128xf32, #tpu.memory_space<vmem>>) dst(%dma_wait3A_178 : memref<128x128xf32, #tpu.memory_space<hbm>>)
      %mul3A_179 = arith.constant 128 : i32
      %mul3A_180 = arith.muli %min3A_169, %mul3A_179 : i32
      %dma_start3A_181 = arith.constant 0 : i32
      %dma_start3A_182 = tpu.memref_slice %arg5[%mul3A_180] : memref<25600xi32, #tpu.memory_space<vmem>> -> memref<128xi32, #tpu.memory_space<vmem>>
      %dma_start3A_183 = arith.constant 0 : i32
      %dma_start3A_184 = arith.constant 0 : i32
      %dma_start3A_185 = tpu.memref_slice %arg2[%dma_start3A_183, %dma_start3A_184] : memref<1000000x128xf32, #tpu.memory_space<hbm>> -> memref<1000000x128xf32, #tpu.memory_space<hbm>>
      %dma_start3A_186 = tpu.memref_slice %arg10[%dma_start3A_181] : memref<4x!tpu.dma_semaphore, #tpu.memory_space<semaphore_mem>> -> memref<1x!tpu.dma_semaphore, #tpu.memory_space<semaphore_mem>>
      %dma_start3A_187 = tpu.memref_squeeze %dma_start3A_186 : memref<1x!tpu.dma_semaphore, #tpu.memory_space<semaphore_mem>> -> memref<!tpu.dma_semaphore, #tpu.memory_space<semaphore_mem>>
      tpu.enqueue_indirect_dma source(%dma_start3A_185 : memref<1000000x128xf32, #tpu.memory_space<hbm>>) target(%arg6 : memref<128x128xf32, #tpu.memory_space<vmem>>) offsets(%dma_start3A_182 : memref<128xi32, #tpu.memory_space<vmem>>) semaphore(%dma_start3A_187 : memref<!tpu.dma_semaphore, #tpu.memory_space<semaphore_mem>>)
      %add3A_188 = arith.constant 1 : i32
      %add3A_189 = arith.addi %scan3A_70, %add3A_188 : i32
      %mul3A_190 = arith.constant 4 : i32
      %mul3A_191 = arith.muli %add3A_189, %mul3A_190 : i32
      %add3A_192 = arith.constant 1 : i32
      %add3A_193 = arith.addi %mul3A_191, %add3A_192 : i32
      %min3A_194 = arith.constant 199 : i32
      %min3A_195 = arith.minsi %add3A_193, %min3A_194 : i32
      %dma_wait3A_196 = arith.constant 1 : i32
      %dma_wait3A_197 = arith.constant 0 : i32
      %dma_wait3A_198 = arith.constant 0 : i32
      %dma_wait3A_199 = tpu.memref_slice %arg4[%dma_wait3A_197, %dma_wait3A_198] : memref<819200x128xf32, #tpu.memory_space<hbm>> -> memref<128x128xf32, #tpu.memory_space<hbm>>
      %dma_wait3A_200 = tpu.memref_slice %arg11[%dma_wait3A_196] : memref<4x!tpu.dma_semaphore, #tpu.memory_space<semaphore_mem>> -> memref<1x!tpu.dma_semaphore, #tpu.memory_space<semaphore_mem>>
      %dma_wait3A_201 = tpu.memref_squeeze %dma_wait3A_200 : memref<1x!tpu.dma_semaphore, #tpu.memory_space<semaphore_mem>> -> memref<!tpu.dma_semaphore, #tpu.memory_space<semaphore_mem>>
      %dma_wait3A_202 = arith.constant 0 : i32
      %dma_wait3A_203 = arith.constant 0 : i32
      %dma_wait3A_204 = tpu.memref_slice %arg4[%dma_wait3A_202, %dma_wait3A_203] : memref<819200x128xf32, #tpu.memory_space<hbm>> -> memref<128x128xf32, #tpu.memory_space<hbm>>
      tpu.wait_dma2 semaphore(%dma_wait3A_201 : memref<!tpu.dma_semaphore, #tpu.memory_space<semaphore_mem>>) src(%arg7 : memref<128x128xf32, #tpu.memory_space<vmem>>) dst(%dma_wait3A_204 : memref<128x128xf32, #tpu.memory_space<hbm>>)
      %mul3A_205 = arith.constant 128 : i32
      %mul3A_206 = arith.muli %min3A_195, %mul3A_205 : i32
      %dma_start3A_207 = arith.constant 1 : i32
      %dma_start3A_208 = tpu.memref_slice %arg5[%mul3A_206] : memref<25600xi32, #tpu.memory_space<vmem>> -> memref<128xi32, #tpu.memory_space<vmem>>
      %dma_start3A_209 = arith.constant 0 : i32
      %dma_start3A_210 = arith.constant 0 : i32
      %dma_start3A_211 = tpu.memref_slice %arg2[%dma_start3A_209, %dma_start3A_210] : memref<1000000x128xf32, #tpu.memory_space<hbm>> -> memref<1000000x128xf32, #tpu.memory_space<hbm>>
      %dma_start3A_212 = tpu.memref_slice %arg10[%dma_start3A_207] : memref<4x!tpu.dma_semaphore, #tpu.memory_space<semaphore_mem>> -> memref<1x!tpu.dma_semaphore, #tpu.memory_space<semaphore_mem>>
      %dma_start3A_213 = tpu.memref_squeeze %dma_start3A_212 : memref<1x!tpu.dma_semaphore, #tpu.memory_space<semaphore_mem>> -> memref<!tpu.dma_semaphore, #tpu.memory_space<semaphore_mem>>
      tpu.enqueue_indirect_dma source(%dma_start3A_211 : memref<1000000x128xf32, #tpu.memory_space<hbm>>) target(%arg7 : memref<128x128xf32, #tpu.memory_space<vmem>>) offsets(%dma_start3A_208 : memref<128xi32, #tpu.memory_space<vmem>>) semaphore(%dma_start3A_213 : memref<!tpu.dma_semaphore, #tpu.memory_space<semaphore_mem>>)
      %add3A_214 = arith.constant 1 : i32
      %add3A_215 = arith.addi %scan3A_70, %add3A_214 : i32
      %mul3A_216 = arith.constant 4 : i32
      %mul3A_217 = arith.muli %add3A_215, %mul3A_216 : i32
      %add3A_218 = arith.constant 2 : i32
      %add3A_219 = arith.addi %mul3A_217, %add3A_218 : i32
      %min3A_220 = arith.constant 199 : i32
      %min3A_221 = arith.minsi %add3A_219, %min3A_220 : i32
      %dma_wait3A_222 = arith.constant 2 : i32
      %dma_wait3A_223 = arith.constant 0 : i32
      %dma_wait3A_224 = arith.constant 0 : i32
      %dma_wait3A_225 = tpu.memref_slice %arg4[%dma_wait3A_223, %dma_wait3A_224] : memref<819200x128xf32, #tpu.memory_space<hbm>> -> memref<128x128xf32, #tpu.memory_space<hbm>>
      %dma_wait3A_226 = tpu.memref_slice %arg11[%dma_wait3A_222] : memref<4x!tpu.dma_semaphore, #tpu.memory_space<semaphore_mem>> -> memref<1x!tpu.dma_semaphore, #tpu.memory_space<semaphore_mem>>
      %dma_wait3A_227 = tpu.memref_squeeze %dma_wait3A_226 : memref<1x!tpu.dma_semaphore, #tpu.memory_space<semaphore_mem>> -> memref<!tpu.dma_semaphore, #tpu.memory_space<semaphore_mem>>
      %dma_wait3A_228 = arith.constant 0 : i32
      %dma_wait3A_229 = arith.constant 0 : i32
      %dma_wait3A_230 = tpu.memref_slice %arg4[%dma_wait3A_228, %dma_wait3A_229] : memref<819200x128xf32, #tpu.memory_space<hbm>> -> memref<128x128xf32, #tpu.memory_space<hbm>>
      tpu.wait_dma2 semaphore(%dma_wait3A_227 : memref<!tpu.dma_semaphore, #tpu.memory_space<semaphore_mem>>) src(%arg8 : memref<128x128xf32, #tpu.memory_space<vmem>>) dst(%dma_wait3A_230 : memref<128x128xf32, #tpu.memory_space<hbm>>)
      %mul3A_231 = arith.constant 128 : i32
      %mul3A_232 = arith.muli %min3A_221, %mul3A_231 : i32
      %dma_start3A_233 = arith.constant 2 : i32
      %dma_start3A_234 = tpu.memref_slice %arg5[%mul3A_232] : memref<25600xi32, #tpu.memory_space<vmem>> -> memref<128xi32, #tpu.memory_space<vmem>>
      %dma_start3A_235 = arith.constant 0 : i32
      %dma_start3A_236 = arith.constant 0 : i32
      %dma_start3A_237 = tpu.memref_slice %arg2[%dma_start3A_235, %dma_start3A_236] : memref<1000000x128xf32, #tpu.memory_space<hbm>> -> memref<1000000x128xf32, #tpu.memory_space<hbm>>
      %dma_start3A_238 = tpu.memref_slice %arg10[%dma_start3A_233] : memref<4x!tpu.dma_semaphore, #tpu.memory_space<semaphore_mem>> -> memref<1x!tpu.dma_semaphore, #tpu.memory_space<semaphore_mem>>
      %dma_start3A_239 = tpu.memref_squeeze %dma_start3A_238 : memref<1x!tpu.dma_semaphore, #tpu.memory_space<semaphore_mem>> -> memref<!tpu.dma_semaphore, #tpu.memory_space<semaphore_mem>>
      tpu.enqueue_indirect_dma source(%dma_start3A_237 : memref<1000000x128xf32, #tpu.memory_space<hbm>>) target(%arg8 : memref<128x128xf32, #tpu.memory_space<vmem>>) offsets(%dma_start3A_234 : memref<128xi32, #tpu.memory_space<vmem>>) semaphore(%dma_start3A_239 : memref<!tpu.dma_semaphore, #tpu.memory_space<semaphore_mem>>)
      %add3A_240 = arith.constant 1 : i32
      %add3A_241 = arith.addi %scan3A_70, %add3A_240 : i32
      %mul3A_242 = arith.constant 4 : i32
      %mul3A_243 = arith.muli %add3A_241, %mul3A_242 : i32
      %add3A_244 = arith.constant 3 : i32
      %add3A_245 = arith.addi %mul3A_243, %add3A_244 : i32
      %min3A_246 = arith.constant 199 : i32
      %min3A_247 = arith.minsi %add3A_245, %min3A_246 : i32
      %dma_wait3A_248 = arith.constant 3 : i32
      %dma_wait3A_249 = arith.constant 0 : i32
      %dma_wait3A_250 = arith.constant 0 : i32
      %dma_wait3A_251 = tpu.memref_slice %arg4[%dma_wait3A_249, %dma_wait3A_250] : memref<819200x128xf32, #tpu.memory_space<hbm>> -> memref<128x128xf32, #tpu.memory_space<hbm>>
      %dma_wait3A_252 = tpu.memref_slice %arg11[%dma_wait3A_248] : memref<4x!tpu.dma_semaphore, #tpu.memory_space<semaphore_mem>> -> memref<1x!tpu.dma_semaphore, #tpu.memory_space<semaphore_mem>>
      %dma_wait3A_253 = tpu.memref_squeeze %dma_wait3A_252 : memref<1x!tpu.dma_semaphore, #tpu.memory_space<semaphore_mem>> -> memref<!tpu.dma_semaphore, #tpu.memory_space<semaphore_mem>>
      %dma_wait3A_254 = arith.constant 0 : i32
      %dma_wait3A_255 = arith.constant 0 : i32
      %dma_wait3A_256 = tpu.memref_slice %arg4[%dma_wait3A_254, %dma_wait3A_255] : memref<819200x128xf32, #tpu.memory_space<hbm>> -> memref<128x128xf32, #tpu.memory_space<hbm>>
      tpu.wait_dma2 semaphore(%dma_wait3A_253 : memref<!tpu.dma_semaphore, #tpu.memory_space<semaphore_mem>>) src(%arg9 : memref<128x128xf32, #tpu.memory_space<vmem>>) dst(%dma_wait3A_256 : memref<128x128xf32, #tpu.memory_space<hbm>>)
      %mul3A_257 = arith.constant 128 : i32
      %mul3A_258 = arith.muli %min3A_247, %mul3A_257 : i32
      %dma_start3A_259 = arith.constant 3 : i32
      %dma_start3A_260 = tpu.memref_slice %arg5[%mul3A_258] : memref<25600xi32, #tpu.memory_space<vmem>> -> memref<128xi32, #tpu.memory_space<vmem>>
      %dma_start3A_261 = arith.constant 0 : i32
      %dma_start3A_262 = arith.constant 0 : i32
      %dma_start3A_263 = tpu.memref_slice %arg2[%dma_start3A_261, %dma_start3A_262] : memref<1000000x128xf32, #tpu.memory_space<hbm>> -> memref<1000000x128xf32, #tpu.memory_space<hbm>>
      %dma_start3A_264 = tpu.memref_slice %arg10[%dma_start3A_259] : memref<4x!tpu.dma_semaphore, #tpu.memory_space<semaphore_mem>> -> memref<1x!tpu.dma_semaphore, #tpu.memory_space<semaphore_mem>>
      %dma_start3A_265 = tpu.memref_squeeze %dma_start3A_264 : memref<1x!tpu.dma_semaphore, #tpu.memory_space<semaphore_mem>> -> memref<!tpu.dma_semaphore, #tpu.memory_space<semaphore_mem>>
      tpu.enqueue_indirect_dma source(%dma_start3A_263 : memref<1000000x128xf32, #tpu.memory_space<hbm>>) target(%arg9 : memref<128x128xf32, #tpu.memory_space<vmem>>) offsets(%dma_start3A_260 : memref<128xi32, #tpu.memory_space<vmem>>) semaphore(%dma_start3A_265 : memref<!tpu.dma_semaphore, #tpu.memory_space<semaphore_mem>>)
    }
    %scan3A_38 = arith.constant 50 : i32
    %dma_wait3A = arith.constant 0 : i32
    %dma_wait3A_39 = arith.constant 0 : i32
    %dma_wait3A_40 = tpu.memref_slice %arg5[%dma_wait3A_39] : memref<25600xi32, #tpu.memory_space<vmem>> -> memref<128xi32, #tpu.memory_space<vmem>>
    %dma_wait3A_41 = arith.constant 0 : i32
    %dma_wait3A_42 = arith.constant 0 : i32
    %dma_wait3A_43 = tpu.memref_slice %arg2[%dma_wait3A_41, %dma_wait3A_42] : memref<1000000x128xf32, #tpu.memory_space<hbm>> -> memref<1000000x128xf32, #tpu.memory_space<hbm>>
    %dma_wait3A_44 = tpu.memref_slice %arg10[%dma_wait3A] : memref<4x!tpu.dma_semaphore, #tpu.memory_space<semaphore_mem>> -> memref<1x!tpu.dma_semaphore, #tpu.memory_space<semaphore_mem>>
    %dma_wait3A_45 = tpu.memref_squeeze %dma_wait3A_44 : memref<1x!tpu.dma_semaphore, #tpu.memory_space<semaphore_mem>> -> memref<!tpu.dma_semaphore, #tpu.memory_space<semaphore_mem>>
    tpu.wait_indirect_dma semaphore(%dma_wait3A_45 : memref<!tpu.dma_semaphore, #tpu.memory_space<semaphore_mem>>) src(%dma_wait3A_43 : memref<1000000x128xf32, #tpu.memory_space<hbm>>) dst(%arg6 : memref<128x128xf32, #tpu.memory_space<vmem>>)
    %dma_wait3A_46 = arith.constant 1 : i32
    %dma_wait3A_47 = arith.constant 0 : i32
    %dma_wait3A_48 = tpu.memref_slice %arg5[%dma_wait3A_47] : memref<25600xi32, #tpu.memory_space<vmem>> -> memref<128xi32, #tpu.memory_space<vmem>>
    %dma_wait3A_49 = arith.constant 0 : i32
    %dma_wait3A_50 = arith.constant 0 : i32
    %dma_wait3A_51 = tpu.memref_slice %arg2[%dma_wait3A_49, %dma_wait3A_50] : memref<1000000x128xf32, #tpu.memory_space<hbm>> -> memref<1000000x128xf32, #tpu.memory_space<hbm>>
    %dma_wait3A_52 = tpu.memref_slice %arg10[%dma_wait3A_46] : memref<4x!tpu.dma_semaphore, #tpu.memory_space<semaphore_mem>> -> memref<1x!tpu.dma_semaphore, #tpu.memory_space<semaphore_mem>>
    %dma_wait3A_53 = tpu.memref_squeeze %dma_wait3A_52 : memref<1x!tpu.dma_semaphore, #tpu.memory_space<semaphore_mem>> -> memref<!tpu.dma_semaphore, #tpu.memory_space<semaphore_mem>>
    tpu.wait_indirect_dma semaphore(%dma_wait3A_53 : memref<!tpu.dma_semaphore, #tpu.memory_space<semaphore_mem>>) src(%dma_wait3A_51 : memref<1000000x128xf32, #tpu.memory_space<hbm>>) dst(%arg7 : memref<128x128xf32, #tpu.memory_space<vmem>>)
    %dma_wait3A_54 = arith.constant 2 : i32
    %dma_wait3A_55 = arith.constant 0 : i32
    %dma_wait3A_56 = tpu.memref_slice %arg5[%dma_wait3A_55] : memref<25600xi32, #tpu.memory_space<vmem>> -> memref<128xi32, #tpu.memory_space<vmem>>
    %dma_wait3A_57 = arith.constant 0 : i32
    %dma_wait3A_58 = arith.constant 0 : i32
    %dma_wait3A_59 = tpu.memref_slice %arg2[%dma_wait3A_57, %dma_wait3A_58] : memref<1000000x128xf32, #tpu.memory_space<hbm>> -> memref<1000000x128xf32, #tpu.memory_space<hbm>>
    %dma_wait3A_60 = tpu.memref_slice %arg10[%dma_wait3A_54] : memref<4x!tpu.dma_semaphore, #tpu.memory_space<semaphore_mem>> -> memref<1x!tpu.dma_semaphore, #tpu.memory_space<semaphore_mem>>
    %dma_wait3A_61 = tpu.memref_squeeze %dma_wait3A_60 : memref<1x!tpu.dma_semaphore, #tpu.memory_space<semaphore_mem>> -> memref<!tpu.dma_semaphore, #tpu.memory_space<semaphore_mem>>
    tpu.wait_indirect_dma semaphore(%dma_wait3A_61 : memref<!tpu.dma_semaphore, #tpu.memory_space<semaphore_mem>>) src(%dma_wait3A_59 : memref<1000000x128xf32, #tpu.memory_space<hbm>>) dst(%arg8 : memref<128x128xf32, #tpu.memory_space<vmem>>)
    %dma_wait3A_62 = arith.constant 3 : i32
    %dma_wait3A_63 = arith.constant 0 : i32
    %dma_wait3A_64 = tpu.memref_slice %arg5[%dma_wait3A_63] : memref<25600xi32, #tpu.memory_space<vmem>> -> memref<128xi32, #tpu.memory_space<vmem>>
    %dma_wait3A_65 = arith.constant 0 : i32
    %dma_wait3A_66 = arith.constant 0 : i32
    %dma_wait3A_67 = tpu.memref_slice %arg2[%dma_wait3A_65, %dma_wait3A_66] : memref<1000000x128xf32, #tpu.memory_space<hbm>> -> memref<1000000x128xf32, #tpu.memory_space<hbm>>
    %dma_wait3A_68 = tpu.memref_slice %arg10[%dma_wait3A_62] : memref<4x!tpu.dma_semaphore, #tpu.memory_space<semaphore_mem>> -> memref<1x!tpu.dma_semaphore, #tpu.memory_space<semaphore_mem>>
    %dma_wait3A_69 = tpu.memref_squeeze %dma_wait3A_68 : memref<1x!tpu.dma_semaphore, #tpu.memory_space<semaphore_mem>> -> memref<!tpu.dma_semaphore, #tpu.memory_space<semaphore_mem>>
    tpu.wait_indirect_dma semaphore(%dma_wait3A_69 : memref<!tpu.dma_semaphore, #tpu.memory_space<semaphore_mem>>) src(%dma_wait3A_67 : memref<1000000x128xf32, #tpu.memory_space<hbm>>) dst(%arg9 : memref<128x128xf32, #tpu.memory_space<vmem>>)
    return
  }
}

module attributes {stable_mosaic.version = 14 : i64} {
  func.func @body(%arg0: i32, %arg1: memref<64x38400xf32, #tpu.memory_space<vmem>>, %arg2: memref<38400x128xf32, #tpu.memory_space<vmem>>) attributes {dimension_semantics = [#tpu.dimension_semantics<arbitrary>], iteration_bounds = array<i64: 27>, scalar_prefetch = 0 : i64, scratch_operands = 0 : i64, tpu.core_type = #tpu.core_type<tc>, window_params = [{transform_indices = @transform_0, window_bounds = array<i64: 64, 38400>}, {transform_indices = @transform_1, window_bounds = array<i64: 38400, 128>}]} {
    %get3A = arith.constant 0 : index
    %get3A_0 = arith.constant 0 : index
    %get3A_1 = vector.load %arg1[%get3A, %get3A_0] : memref<64x38400xf32, #tpu.memory_space<vmem>>, vector<64x38400xf32>
    %transpose3A = tpu.transpose %get3A_1, [1, 0] : vector<64x38400xf32> -> vector<38400x64xf32>
    %swap3A = arith.constant 0 : index
    %swap3A_2 = arith.constant 0 : index
    %swap3A_3 = vector.load %arg2[%swap3A, %swap3A_2] : memref<38400x128xf32, #tpu.memory_space<vmem>>, vector<38400x64xf32>
    tpu.vector_store %arg2[%swap3A, %swap3A_2], %transpose3A {strides = array<i32>} : memref<38400x128xf32, #tpu.memory_space<vmem>>, vector<38400x64xf32>,
    return
  }
  func.func @transform_0(%arg0: i32) -> (i32, i32) {
    %c0_i32 = arith.constant 0 : i32
    %c0_i32_0 = arith.constant 0 : i32
    return %c0_i32, %arg0 : i32, i32
  }
  func.func @transform_1(%arg0: i32) -> (i32, i32) {
    %c0_i32 = arith.constant 0 : i32
    %c0_i32_0 = arith.constant 0 : i32
    return %arg0, %c0_i32 : i32, i32
  }
}

</mosaic_0001>

<sc_bundles>
// kernel: kernel.4.cloned.1.call-start
scs
__scs_entry_jumppad:
0x0: {  	(pc) =	sbr.rel $0x88, $3  }
0x1: {  	(tag) =	ssettag $0x0;
	lr =	simm.s32 $0x1  }
0x2: {  	[smem:$0x3F9F] =	sst lr;
	_ =	strace $0xD0000000  }
0x3: {  	_ = 	snop  }
0x4: {  	_ = 	snop  }
0x5: {  	_ = 	snop  }
0x6: {  	_ = 	snop  }
0x7: {  	_ = 	snop  }
__scs_overlays_trampoline_lowered:
0x8: {  	[smem:$0x3FAE] =	sst s0  }
0x9: {  	[smem:$0x3FAF] =	sst s1  }
0xa: {  	[smem:$0x3FB0] =	sst s2  }
0xb: {  	[smem:$0x3FB1] =	sst s3  }
0xc: {  	[smem:$0x3FB2] =	sst s4  }
0xd: {  	[smem:$0x3FB3] =	sst s5  }
0xe: {  	[smem:$0x3FB4] =	sst s6  }
0xf: {  	[smem:$0x3FB5] =	sst s7  }
0x10: {  	[smem:$0x3FB6] =	sst s8  }
0x11: {  	[smem:$0x3FB7] =	sst s9;
	s0 =	simm.s32 @!p0 $0x0  }
0x12: {  	s1 =	sld [smem:$0x3F9D];
	s0 =	simm.s32 @p0 $0x1  }
0x13: {  	[smem:$0x3FB8] =	sst s0;
	s0 =	simm.s32 @!p1 $0x0  }
0x14: {  	s2 =	sld [smem:$0x3F9C];
	s0 =	simm.s32 @p1 $0x1  }
0x15: {  	[smem:$0x3FB9] =	sst s0;
	s0 =	simm.s32 @!p2 $0x0  }
0x16: {  	s3 =	sld [smem:$0x3FDB];
	s0 =	simm.s32 @p2 $0x1  }
0x17: {  	s4 =	simm.s32 $0x1BF5;
	[smem:$0x3FBB] =	sst s0  }
0x18: {  	s0 =	sld [smem:$0x3F9E];
	_ =	swait.ge [sflag:s4], $0x0  }
0x19: {  	s7 =	sld [smem:$0x3F9F]  }
0x1a: {  	s8 =	sadd.s32 $0xFFFFE003, lr  }
0x1b: {  	s9 =	sadd.s32 $0xFFFFFEF7, lr;
	s5 =	simm.s32 $0xFFFFFFFF;
	p2 =	slt.u32 s8, $0xFFFFF086  }
0x1c: {  	p1 =	slt.u32 s9, $0xF7A;
	s5 =	simm.s32 @!p2 $0x0  }
0x1d: {  	s5 =	simm.s32 @p1 $0x1;
	p0 =	seq.s32 s7, s2  }
0x1e: {  	s7 =	smul.u32 @!p0 $0xF7A, s2;
	p2 =	seq.s32 @!p0 s5, $0x0  }
0x1f: {  	s9 =	smul.u32 $0xF7A, s1;
	s8 =	simm.s32 @!p0 $0x1BF5;
	p2 =	por !p2, p0  }
0x20: {  	[sflag:s8] =	ssyncset.s32 @!p0 $0xFFFFF086;
	s6 =	sadd.s32 @!p0 s3, s7;
	s7 =	simm.s32 @!p0 $0x108  }
0x21: {  	s3 =	sadd.s32 s3, s9;
	s6 =	sadd.s32 @!p0 $0x88, s6;
	s7 =	simm.s32 @p2 $0x1082  }
0x22: {  	[simem:s7], [sflag:s8] =	dma.local @!p0 [hbm:s6], $0xF7A  }
0x23: {  	s9 =	sor.u32 $0xD0000000, s2;
	s6 =	simm.s32 $0x108;
	_ =	swait.ge @!p0 [sflag:s8], $0x0  }
0x24: {  	s3 =	sadd.s32 $0x88, s3;
	s6 =	simm.s32 @!p1 $0x1082;
	[sflag:s4] =	ssyncset.s32 $0xFFFFF086  }
0x25: {  	[simem:s6], [sflag:s4] =	dma.local [hbm:s3], $0xF7A  }
0x26: {  	[smem:$0x3F9F] =	sst s1;
	(tag) =	ssettag s2;
	_ =	strace s9  }
0x27: {  	s1 =	sld [smem:$0x3FAF]  }
0x28: {  	s2 =	sld [smem:$0x3FB0]  }
0x29: {  	s4 =	sld [smem:$0x3FB2]  }
0x2a: {  	p0 =	seq.s32 s5, $0x0;
	s5 =	sld [smem:$0x3FB3]  }
0x2b: {  	s6 =	sld [smem:$0x3FB4]  }
0x2c: {  	s7 =	sld [smem:$0x3FB5]  }
0x2d: {  	s3 =	simm.s32 $0x108;
	s8 =	sld [smem:$0x3FB6]  }
0x2e: {  	s3 =	simm.s32 @!p0 $0x1082;
	s9 =	sld [smem:$0x3FB7]  }
0x2f: {  	lr =	sadd.s32 s0, s3;
	s0 =	sld [smem:$0x3FAE]  }
0x30: {  	s3 =	sld [smem:$0x3FB1]  }
0x31: {  	[smem:$0x3FBA] =	sst s10  }
0x32: {  	s10 =	sld [smem:$0x3FB8];
	_ =	sdelay $0x3  }
0x33: {  	p0 =	seq.s32 s10, $0x1;
	s10 =	sld [smem:$0x3FBA];
	_ =	sdelay $0x3  }
0x34: {  	[smem:$0x3FBA] =	sst s10  }
0x35: {  	s10 =	sld [smem:$0x3FB9];
	_ =	sdelay $0x3  }
0x36: {  	p1 =	seq.s32 s10, $0x1;
	s10 =	sld [smem:$0x3FBA];
	_ =	sdelay $0x3  }
0x37: {  	[smem:$0x3FBA] =	sst s10  }
0x38: {  	s10 =	sld [smem:$0x3FBB]  }
0x39: {  	_ = 	snop;
	(pc) =	sbr.ind lr, $3  }
0x3a: {  	_ = 	snop  }
0x3b: {  	_ = 	snop  }
0x3c: {  	p2 =	seq.s32 s10, $0x1;
	s10 =	sld [smem:$0x3FBA]  }
0x3d: {  	_ =	shalt  }
0x3e: {  	_ =	shalt  }
0x3f: {  	_ =	shalt  }
0x40: {  	_ =	shalt  }
0x41: {  	_ =	shalt  }
0x42: {  	_ =	shalt  }
0x43: {  	_ =	shalt  }
0x44: {  	_ =	shalt  }
0x45: {  	_ =	shalt  }
0x46: {  	_ =	shalt  }
0x47: {  	_ =	shalt  }
0x48: {  	_ =	shalt  }
0x49: {  	_ =	shalt  }
0x4a: {  	_ =	shalt  }
0x4b: {  	_ =	shalt  }
0x4c: {  	_ =	shalt  }
0x4d: {  	_ =	shalt  }
0x4e: {  	_ =	shalt  }
0x4f: {  	_ =	shalt  }
0x50: {  	_ =	shalt  }
0x51: {  	_ =	shalt  }
0x52: {  	_ =	shalt  }
0x53: {  	_ =	shalt  }
0x54: {  	_ =	shalt  }
0x55: {  	_ =	shalt  }
0x56: {  	_ =	shalt  }
0x57: {  	_ =	shalt  }
0x58: {  	_ =	shalt  }
0x59: {  	_ =	shalt  }
0x5a: {  	_ =	shalt  }
0x5b: {  	_ =	shalt  }
0x5c: {  	_ =	shalt  }
0x5d: {  	_ =	shalt  }
0x5e: {  	_ =	shalt  }
0x5f: {  	_ =	shalt  }
0x60: {  	_ =	shalt  }
0x61: {  	_ =	shalt  }
0x62: {  	_ =	shalt  }
0x63: {  	_ =	shalt  }
0x64: {  	_ =	shalt  }
0x65: {  	_ =	shalt  }
0x66: {  	_ =	shalt  }
0x67: {  	_ =	shalt  }
0x68: {  	_ =	shalt  }
0x69: {  	_ =	shalt  }
0x6a: {  	_ =	shalt  }
0x6b: {  	_ =	shalt  }
0x6c: {  	_ =	shalt  }
0x6d: {  	_ =	shalt  }
0x6e: {  	_ =	shalt  }
0x6f: {  	_ =	shalt  }
0x70: {  	_ =	shalt  }
0x71: {  	_ =	shalt  }
0x72: {  	_ =	shalt  }
0x73: {  	_ =	shalt  }
0x74: {  	_ =	shalt  }
0x75: {  	_ =	shalt  }
0x76: {  	_ =	shalt  }
0x77: {  	_ =	shalt  }
0x78: {  	_ =	shalt  }
0x79: {  	_ =	shalt  }
0x7a: {  	_ =	shalt  }
0x7b: {  	_ =	shalt  }
0x7c: {  	_ =	shalt  }
0x7d: {  	_ =	shalt  }
0x7e: {  	_ =	shalt  }
0x7f: {  	_ =	shalt  }
0x80: {  	_ =	shalt  }
0x81: {  	_ =	shalt  }
0x82: {  	_ =	shalt  }
0x83: {  	_ =	shalt  }
0x84: {  	_ =	shalt  }
0x85: {  	_ =	shalt  }
0x86: {  	_ =	shalt  }
0x87: {  	_ =	shalt  }
.Lfunc_end0:
.L_simem_size_0:
called_computation.1_lowered:
.L_overlay_start_0:
0x88: {  	s2 =	sld [smem:$0x3FD9]  }
0x89: {  	s3 =	sld [smem:$0x3FFE];
	_ =	sdelay $0x1  }
0x8a: {  	s1 =	srdreg.scid  }
0x8b: {  	s0 =	sand.u32 $0x1, s1  }
0x8c: {  	s17 =	sshll.u32 s0, $0xA;
	s2 =	sadd.s32 s3, s2  }
0x8d: {  	s2 =	sadd.s32 s2, s17  }
0x8e: {  	[smem:$0x3FC6] =	sst s2  }
0x8f: {  	_ = 	snop  }
0x90: {  	s2 =	sld [smem:$0x3FD0];
	(tm) =	ssettm $0x1  }
0x91: {  	s18 =	sld [smem:$0x3FFB];
	_ =	sdelay $0x3  }
0x92: {  	_ =	strace s18  }
0x93: {  	s3 =	sld [smem:$0x3FFC];
	_ =	sdelay $0x3  }
0x94: {  	_ =	strace s3  }
0x95: {  	s3 =	sld [smem:$0x3FFD];
	_ =	sdelay $0x3  }
0x96: {  	_ =	strace s3  }
0x97: {  	_ =	strace $0x8FFFFFFF  }
0x98: {  	s19 =	sld [smem:$0x3FDB];
	_ =	sdelay $0x1  }
0x99: {  	s4 =	simm.s32 $_scs_section_size  }
0x9a: {  	s5 =	simm.s32 $_size__tile_overlayer_lowered;
	s6 =	simm.s32 $_tile_overlayer_lowered  }
0x9b: {  	s22 =	simm.s32 $0x1BFF;
	s21 =	sshll.u32 s6, $0x1;
	s3 =	sadd.s32 s4, s19  }
0x9c: {  	s7 =	simm.s32 $0x0;
	s20 =	sshll.u32 s5, $0x1;
	s5 =	sadd.s32 s21, s3  }
0x9d: {  	[timem:s7], [sflag:s22] =	dma.local [hbm:s5], s20  }
0x9e: {  	_ =	swait.ge [sflag:s22], s20  }
0x9f: {  	s4 =	ssub.s32 $0x0, s20;
	[sflag:s22] =	ssyncset.done $0x0  }
0xa0: {  	[sflag:s22] =	ssyncadd.s32 s4;
	_ =	sdelay $0x1  }
0xa1: {  	s23 =	simm.s32 $0x1B8B  }
0xa2: {  	_ =	swait.ge [sflag:s23], $0x1  }
0xa3: {  	[sflag:s23] =	ssyncset.done $0x0  }
0xa4: {  	s25 =	simm.s32 $0x1B8E;
	s24 =	sld [smem:$0x3FFE];
	[sflag:s23] =	ssyncadd.s32 $0xFFFFFFFF  }
0xa5: {  	s26 =	simm.s32 $execute0_lowered;
	[smem:$0x3FD2] =	sst s25  }
0xa6: {  	s5 =	sshll.u32 s26, $0x1;
	_ =	strace $0x80000046;
	[dreg:$0x1] =	wrdreg $0xFFFFFFFF  }
0xa7: {  	s28 =	simm.s32 $_size_execute0_lowered;
	s3 =	sadd.s32 s3, s5;
	[dreg:$0x0] =	wrdreg $0x0  }
0xa8: {  	s5 =	sshll.u32 s28, $0x1;
	[dreg:$0x2] =	wrdreg s3  }
0xa9: {  	[dreg:$0x3] =	wrdreg s5  }
0xaa: {  	[dreg:$0x4] =	wrdreg $0xC0  }
0xab: {  	_ =	task [dreg:s7], $0x5FFFF  }
0xac: {  	[dreg:$0x1] =	wrdreg $0xFFFFFFFF  }
0xad: {  	[dreg:$0x0] =	wrdreg $0x60  }
0xae: {  	[dreg:$0x2] =	wrdreg s24  }
0xaf: {  	[dreg:$0x3] =	wrdreg s2  }
0xb0: {  	[dreg:$0x4] =	wrdreg $0x9  }
0xb1: {  	_ =	task.clear_ibuf [dreg:s7], $0x5FFFF;
	_ =	strace $0x90000046  }
0xb2: {  	s29 =	simm.s32 $0x9;
	_ =	strace $0x80000048  }
0xb3: {  	_ =	swait.ge [sflag:s29], $0x1  }
0xb4: {  	[sflag:s29] =	ssyncadd.s32 $0xFFFFFFFF  }
0xb5: {  	_ =	strace $0x90000048  }
0xb6: {  	_ =	sfence  }
0xb7: {  	s30 =	sld [smem:$0x0];
	_ =	sdelay $0x2  }
0xb8: {  	s31 =	sshll.u32 s1, $0xD;
	s1 =	sshrl.u32 s1, $0x2  }
0xb9: {  	s3 =	sand.u32 $0x4000, s31;
	s1 =	sadd.s32 s1, s30  }
0xba: {  	s0 =	sor.u32 s3, s0;
	s1 =	sshll.u32 s1, $0x11  }
0xbb: {  	s0 =	sor.u32 s1, s0  }
0xbc: {  	s0 =	sadd.s32 $0x8F2B, s0  }
0xbd: {  	[sflag:s0] =	ssyncadd.remote.s32 $0x1  }
0xbe: {  	_ =	sfence.sel $0xFFFF  }
0xbf: {  	[dreg:$0x0] =	wrdreg $0xFFFFFFFF;
	(pc) =	sbr.abs _section_cstart, $3  }
0xc0: {  	[dreg:$0x1] =	wrdreg $0xFFFFFFFF  }
0xc1: {  	_ =	task.clear_ibuf [dreg:s7], $0x2FFFF;
	_ =	strace $0x9FFFFFFF  }
0xc2: {  	(tm) =	ssettm $0x7FFFFFFF  }
0xc3: {  	_ =	shalt  }
tec
execute0_lowered:
.L_overlay_start_1:
0x0: {  	(tag) =	ssettag $0x1  }
0x1: {  	s0 =	rddreg [dreg:$0x0]  }
0x2: {  	s1 =	rddreg [dreg:$0x1]  }
0x3: {  	s3 =	srdreg.scid;
	s10 =	stileid.u32;
	s2 =	simm.s32 $0x0  }
0x4: {  	s16 =	simm.s32 $0x9;
	s17 =	simm.s32 $0x80;
	s18 =	simm.s32 $0x6400  }
0x5: {  	s28 =	simm.s32 $0x4;
	s29 =	simm.s32 $0x5;
	s21 =	smul.u32 $0x640000, s10  }
0x6: {  	s30 =	simm.s32 $0x6;
	s4 =	sand.u32 $0x1, s3;
	s13 =	smul.u32 $0xC8000, s10  }
0x7: {  	s31 =	simm.s32 $0x7;
	s19 =	sshll.u32 s10, $0x1;
	s12 =	smul.u32 $0x320000, s4  }
0x8: {  	[smem:$0x7FF] =	sst s2;
	s5 =	sor.u32 s4, s19;
	s24 =	smul.u32 $0x64000, s4  }
0x9: {  	s3 =	sadd.s32 $0x800, s0;
	s0 =	sadd.s32 $0xF42C00, s0;
	s7 =	smul.u32 $0x6400, s5  }
0xa: {  	_ =	strace $0x80000047;
	s6 =	ssub.s32 $0x2, s4;
	s9 =	smul.u32 $0x320000, s5  }
0xb: {  	s19 =	simm.s32 $0xA400;
	s8 =	sshrl.u32 s6, $0x1;
	s5 =	smul.u32 $0x64000, s5  }
0xc: {  	s26 =	sadd.s32 s13, s0;
	s6 =	ssub.s32 s6, s8;
	s25 =	sadd.s32 s12, s21  }
0xd: {  	s21 =	simm.s32 $0xE400;
	s7 =	sshrl.u32 s7, $0x3;
	s20 =	sshrl.u32 s9, $0x3  }
0xe: {  	s6 =	smax.u32 s6, $0x1;
	s5 =	sadd.s32 s0, s5;
	s4 =	sshrl.u32 s25, $0x3  }
0xf: {  	s25 =	simm.s32 $0x2;
	s1 =	sadd.s32 s1, s7;
	[dreg:$0x4] =	wrdreg s6  }
0x10: {  	s23 =	sadd.s32 $0x62800, s5;
	s8 =	sadd.s32 $0x63000, s5;
	s9 =	sadd.s32 $0x63800, s5  }
0x11: {  	s11 =	sadd.s32 $0x60800, s5;
	s12 =	sadd.s32 $0x61000, s5;
	s13 =	sadd.s32 $0x61800, s5  }
0x12: {  	s14 =	sadd.s32 s4, s0;
	[dreg:$0x3] =	wrdreg s1;
	s1 =	sadd.s32 s0, s20  }
0x13: {  	[dreg:$0x6] =	wrdreg s23;
	s23 =	simm.s32 $0x12400;
	s0 =	simm.s32 $0x8  }
0x14: {  	s20 =	simm.s32 $0x0;
	s22 =	sadd.s32 $0x62000, s1;
	s10 =	sadd.s32 $0x60000, s1  }
0x15: {  	s1 =	sadd.s32 s24, s26;
	s24 =	simm.s32 $0x1;
	s26 =	simm.s32 $0x3  }
0x16: {  	[dreg:$0x5] =	wrdreg s22;
	s15 =	sadd.s32 $0x1800, s1;
	s1 =	simm.s32 $0x6380  }
.LBB2_1:
0x17: {  	s4 =	rddreg [dreg:$0x3]  }
0x18: {  	[tilespmem:s2], [sflag:$0x9] =	stream.linear.gather [hbm4b:s4+s2], $0x6400, $0x38;
	[tilespmem:$0x16400] =	vst v63  }
0x19: {  	_ =	swait.ge [sflag:s16], $0x6400  }
0x1a: {  	[sflag:s16] =	ssyncset.done $0x0  }
0x1b: {  	[sflag:s16] =	ssyncadd.s32 $0xFFFF9C00  }
0x1c: {  	[tilespmem:s18], [sflag:$0x1] =	stream.indirect.gather [hbm4b:s3+s17], $0x80, s2, s17, $0xb8;
	[tilespmem:$0x16400] =	vst v63  }
0x1d: {  	_ = 	snop  }
0x1e: {  	[tilespmem:s19], [sflag:$0x2] =	stream.indirect.gather [hbm4b:s3+s17], $0x80, s17, s17, $0xb8;
	[tilespmem:$0x16400] =	vst v63  }
0x1f: {  	s6 =	simm.s32 $0x100  }
0x20: {  	[tilespmem:s21], [sflag:$0x3] =	stream.indirect.gather [hbm4b:s3+s17], $0x80, s6, s17, $0xb8;
	[tilespmem:$0x16400] =	vst v63  }
0x21: {  	s7 =	simm.s32 $0x180  }
0x22: {  	[tilespmem:s23], [sflag:$0x4] =	stream.indirect.gather [hbm4b:s3+s17], $0x80, s7, s17, $0xb8;
	[tilespmem:$0x16400] =	vst v63  }
0x23: {  	_ =	swait.ge [sflag:s24], $0x4000  }
0x24: {  	[sflag:s24] =	ssyncset.done $0x0  }
0x25: {  	[sflag:s24] =	ssyncadd.s32 $0xFFFFC000  }
0x26: {  	[hbm4b:s14+s2] =	stream.linear.scatter [tilespmem:s18], [sflag:$0x5], $0x4000, $0x38;
	[tilespmem:$0x16400] =	vst v63  }
0x27: {  	_ =	swait.ge [sflag:s25], $0x4000  }
0x28: {  	[sflag:s25] =	ssyncset.done $0x0  }
0x29: {  	s22 =	sadd.s32 $0xFFFFF000, s15;
	[sflag:s25] =	ssyncadd.s32 $0xFFFFC000  }
0x2a: {  	[hbm4b:s22+s2] =	stream.linear.scatter [tilespmem:s19], [sflag:$0x6], $0x4000, $0x38;
	[tilespmem:$0x16400] =	vst v63  }
0x2b: {  	_ =	swait.ge [sflag:s26], $0x4000  }
0x2c: {  	[sflag:s26] =	ssyncset.done $0x0  }
0x2d: {  	s5 =	sadd.s32 $0xFFFFF800, s15;
	[sflag:s26] =	ssyncadd.s32 $0xFFFFC000  }
0x2e: {  	[hbm4b:s5+s2] =	stream.linear.scatter [tilespmem:s21], [sflag:$0x7], $0x4000, $0x38;
	[tilespmem:$0x16400] =	vst v63  }
0x2f: {  	_ =	swait.ge [sflag:s28], $0x4000  }
0x30: {  	[sflag:s28] =	ssyncset.done $0x0  }
0x31: {  	[sflag:s28] =	ssyncadd.s32 $0xFFFFC000  }
0x32: {  	[hbm4b:s15+s2] =	stream.linear.scatter [tilespmem:s23], [sflag:$0x8], $0x4000, $0x38;
	[tilespmem:$0x16400] =	vst v63  }
0x33: {  	_ =	swait.ge [sflag:s29], $0x4000  }
0x34: {  	[sflag:s29] =	ssyncset.done $0x0  }
0x35: {  	s6 =	simm.s32 $0x200;
	[sflag:s29] =	ssyncadd.s32 $0xFFFFC000  }
0x36: {  	[tilespmem:s18], [sflag:$0x1] =	stream.indirect.gather [hbm4b:s3+s17], $0x80, s6, s17, $0xb8;
	[tilespmem:$0x16400] =	vst v63  }
0x37: {  	_ =	swait.ge [sflag:s30], $0x4000  }
0x38: {  	[sflag:s30] =	ssyncset.done $0x0  }
0x39: {  	s7 =	simm.s32 $0x280;
	[sflag:s30] =	ssyncadd.s32 $0xFFFFC000  }
0x3a: {  	[tilespmem:s19], [sflag:$0x2] =	stream.indirect.gather [hbm4b:s3+s17], $0x80, s7, s17, $0xb8;
	[tilespmem:$0x16400] =	vst v63  }
0x3b: {  	_ =	swait.ge [sflag:s31], $0x4000  }
0x3c: {  	[sflag:s31] =	ssyncset.done $0x0  }
0x3d: {  	s22 =	simm.s32 $0x300;
	[sflag:s31] =	ssyncadd.s32 $0xFFFFC000  }
0x3e: {  	[tilespmem:s21], [sflag:$0x3] =	stream.indirect.gather [hbm4b:s3+s17], $0x80, s22, s17, $0xb8;
	[tilespmem:$0x16400] =	vst v63  }
0x3f: {  	_ =	swait.ge [sflag:s0], $0x4000  }
0x40: {  	s4 =	sadd.s32 $0x2000, s15;
	s5 =	sadd.s32 $0x2000, s14;
	[sflag:s0] =	ssyncset.done $0x0  }
0x41: {  	s6 =	simm.s32 $0x380;
	s22 =	simm.s32 $0x800;
	[sflag:s0] =	ssyncadd.s32 $0xFFFFC000  }
.LBB2_2:
0x42: {  	[tilespmem:s23], [sflag:$0x4] =	stream.indirect.gather [hbm4b:s3+s17], $0x80, s6, s17, $0xb8;
	[tilespmem:$0x16400] =	vst v63  }
0x43: {  	s6 =	smov.u32 s22;
	s22 =	sadd.s32 $0x800, s22;
	_ =	swait.ge [sflag:s24], $0x4000  }
0x44: {  	p0 =	sne.s32 s22, $0x18000;
	[sflag:s24] =	ssyncset.done $0x0  }
0x45: {  	[sflag:s24] =	ssyncadd.s32 $0xFFFFC000  }
0x46: {  	[hbm4b:s5+s2] =	stream.linear.scatter [tilespmem:s18], [sflag:$0x5], $0x4000, $0x38;
	[tilespmem:$0x16400] =	vst v63  }
0x47: {  	_ =	swait.ge [sflag:s25], $0x4000  }
0x48: {  	[sflag:s25] =	ssyncset.done $0x0  }
0x49: {  	s7 =	sadd.s32 $0xFFFFF000, s4;
	[sflag:s25] =	ssyncadd.s32 $0xFFFFC000  }
0x4a: {  	[hbm4b:s7+s2] =	stream.linear.scatter [tilespmem:s19], [sflag:$0x6], $0x4000, $0x38;
	[tilespmem:$0x16400] =	vst v63  }
0x4b: {  	_ =	swait.ge [sflag:s26], $0x4000  }
0x4c: {  	[sflag:s26] =	ssyncset.done $0x0  }
0x4d: {  	s7 =	sadd.s32 $0xFFFFF800, s4;
	[sflag:s26] =	ssyncadd.s32 $0xFFFFC000  }
0x4e: {  	[hbm4b:s7+s2] =	stream.linear.scatter [tilespmem:s21], [sflag:$0x7], $0x4000, $0x38;
	[tilespmem:$0x16400] =	vst v63  }
0x4f: {  	_ =	swait.ge [sflag:s28], $0x4000  }
0x50: {  	[sflag:s28] =	ssyncset.done $0x0  }
0x51: {  	[sflag:s28] =	ssyncadd.s32 $0xFFFFC000  }
0x52: {  	[hbm4b:s4+s2] =	stream.linear.scatter [tilespmem:s23], [sflag:$0x8], $0x4000, $0x38;
	[tilespmem:$0x16400] =	vst v63  }
0x53: {  	_ =	swait.ge [sflag:s29], $0x4000  }
0x54: {  	s6 =	sshra.s32 s6, $0x2;
	[sflag:s29] =	ssyncset.done $0x0  }
0x55: {  	s7 =	sadd.s32 $0x200, s6;
	[sflag:s29] =	ssyncadd.s32 $0xFFFFC000  }
0x56: {  	[tilespmem:s18], [sflag:$0x1] =	stream.indirect.gather [hbm4b:s3+s17], $0x80, s7, s17, $0xb8;
	[tilespmem:$0x16400] =	vst v63  }
0x57: {  	_ =	swait.ge [sflag:s30], $0x4000  }
0x58: {  	[sflag:s30] =	ssyncset.done $0x0  }
0x59: {  	s7 =	sadd.s32 $0x280, s6;
	[sflag:s30] =	ssyncadd.s32 $0xFFFFC000  }
0x5a: {  	[tilespmem:s19], [sflag:$0x2] =	stream.indirect.gather [hbm4b:s3+s17], $0x80, s7, s17, $0xb8;
	[tilespmem:$0x16400] =	vst v63  }
0x5b: {  	_ =	swait.ge [sflag:s31], $0x4000  }
0x5c: {  	[sflag:s31] =	ssyncset.done $0x0  }
.Ltmp0:
0x5d: {  	s7 =	sadd.s32 $0x300, s6;
	[sflag:s31] =	ssyncadd.s32 $0xFFFFC000;
	(pc) =	sbr.rel @p0 .LBB2_2-.Ltmp0, $4  }
0x5e: {  	[tilespmem:s21], [sflag:$0x3] =	stream.indirect.gather [hbm4b:s3+s17], $0x80, s7, s17, $0xb8;
	[tilespmem:$0x16400] =	vst v63  }
0x5f: {  	_ =	swait.ge [sflag:s0], $0x4000  }
0x60: {  	s4 =	sadd.s32 $0x2000, s4;
	[sflag:s0] =	ssyncset.done $0x0  }
0x61: {  	s5 =	sadd.s32 $0x2000, s5;
	s6 =	sadd.s32 $0x380, s6;
	[sflag:s0] =	ssyncadd.s32 $0xFFFFC000  }
0x62: {  	[tilespmem:s23], [sflag:$0x4] =	stream.indirect.gather [hbm4b:s3+s17], $0x80, s6, s17, $0xb8;
	[tilespmem:$0x16400] =	vst v63  }
0x63: {  	_ =	swait.ge [sflag:s24], $0x4000  }
0x64: {  	[sflag:s24] =	ssyncset.done $0x0  }
0x65: {  	[sflag:s24] =	ssyncadd.s32 $0xFFFFC000  }
0x66: {  	[hbm4b:s10+s2] =	stream.linear.scatter [tilespmem:s18], [sflag:$0x5], $0x4000, $0x38;
	[tilespmem:$0x16400] =	vst v63  }
0x67: {  	_ =	swait.ge [sflag:s25], $0x4000  }
0x68: {  	[sflag:s25] =	ssyncset.done $0x0  }
0x69: {  	[sflag:s25] =	ssyncadd.s32 $0xFFFFC000  }
0x6a: {  	[hbm4b:s11+s2] =	stream.linear.scatter [tilespmem:s19], [sflag:$0x6], $0x4000, $0x38;
	[tilespmem:$0x16400] =	vst v63  }
0x6b: {  	_ =	swait.ge [sflag:s26], $0x4000  }
0x6c: {  	[sflag:s26] =	ssyncset.done $0x0  }
0x6d: {  	[sflag:s26] =	ssyncadd.s32 $0xFFFFC000  }
0x6e: {  	[hbm4b:s12+s2] =	stream.linear.scatter [tilespmem:s21], [sflag:$0x7], $0x4000, $0x38;
	[tilespmem:$0x16400] =	vst v63  }
0x6f: {  	_ =	swait.ge [sflag:s28], $0x4000  }
0x70: {  	[sflag:s28] =	ssyncset.done $0x0  }
0x71: {  	[sflag:s28] =	ssyncadd.s32 $0xFFFFC000  }
0x72: {  	[hbm4b:s13+s2] =	stream.linear.scatter [tilespmem:s23], [sflag:$0x8], $0x4000, $0x38;
	[tilespmem:$0x16400] =	vst v63  }
0x73: {  	_ =	swait.ge [sflag:s29], $0x4000  }
0x74: {  	s4 =	sshra.s32 s22, $0x2;
	[sflag:s29] =	ssyncset.done $0x0  }
0x75: {  	s5 =	sadd.s32 $0x200, s4;
	[sflag:s29] =	ssyncadd.s32 $0xFFFFC000  }
0x76: {  	[tilespmem:s18], [sflag:$0x1] =	stream.indirect.gather [hbm4b:s3+s17], $0x80, s5, s17, $0xb8;
	[tilespmem:$0x16400] =	vst v63  }
0x77: {  	_ =	swait.ge [sflag:s30], $0x4000  }
0x78: {  	[sflag:s30] =	ssyncset.done $0x0  }
0x79: {  	s7 =	sadd.s32 $0x280, s4;
	[sflag:s30] =	ssyncadd.s32 $0xFFFFC000  }
0x7a: {  	[tilespmem:s19], [sflag:$0x2] =	stream.indirect.gather [hbm4b:s3+s17], $0x80, s7, s17, $0xb8;
	[tilespmem:$0x16400] =	vst v63  }
0x7b: {  	_ =	swait.ge [sflag:s31], $0x4000  }
0x7c: {  	[sflag:s31] =	ssyncset.done $0x0  }
0x7d: {  	s22 =	sadd.s32 $0x300, s4;
	[sflag:s31] =	ssyncadd.s32 $0xFFFFC000  }
0x7e: {  	[tilespmem:s21], [sflag:$0x3] =	stream.indirect.gather [hbm4b:s3+s17], $0x80, s22, s17, $0xb8;
	[tilespmem:$0x16400] =	vst v63  }
0x7f: {  	_ =	swait.ge [sflag:s0], $0x4000  }
0x80: {  	[sflag:s0] =	ssyncset.done $0x0  }
0x81: {  	s4 =	sadd.s32 $0x380, s4;
	[sflag:s0] =	ssyncadd.s32 $0xFFFFC000  }
0x82: {  	[tilespmem:s23], [sflag:$0x4] =	stream.indirect.gather [hbm4b:s3+s17], $0x80, s4, s17, $0xb8;
	[tilespmem:$0x16400] =	vst v63  }
0x83: {  	_ =	swait.ge [sflag:s24], $0x4000  }
0x84: {  	[sflag:s24] =	ssyncset.done $0x0  }
0x85: {  	s6 =	rddreg [dreg:$0x5];
	[sflag:s24] =	ssyncadd.s32 $0xFFFFC000  }
0x86: {  	[hbm4b:s6+s2] =	stream.linear.scatter [tilespmem:s18], [sflag:$0x5], $0x4000, $0x38;
	[tilespmem:$0x16400] =	vst v63  }
0x87: {  	_ =	swait.ge [sflag:s25], $0x4000  }
0x88: {  	[sflag:s25] =	ssyncset.done $0x0  }
0x89: {  	s7 =	rddreg [dreg:$0x6];
	[sflag:s25] =	ssyncadd.s32 $0xFFFFC000  }
0x8a: {  	[hbm4b:s7+s2] =	stream.linear.scatter [tilespmem:s19], [sflag:$0x6], $0x4000, $0x38;
	[tilespmem:$0x16400] =	vst v63  }
0x8b: {  	_ =	swait.ge [sflag:s26], $0x4000  }
0x8c: {  	[sflag:s26] =	ssyncset.done $0x0  }
0x8d: {  	[sflag:s26] =	ssyncadd.s32 $0xFFFFC000  }
0x8e: {  	[hbm4b:s8+s2] =	stream.linear.scatter [tilespmem:s21], [sflag:$0x7], $0x4000, $0x38;
	[tilespmem:$0x16400] =	vst v63  }
0x8f: {  	_ =	swait.ge [sflag:s28], $0x4000  }
0x90: {  	[sflag:s28] =	ssyncset.done $0x0  }
0x91: {  	[sflag:s28] =	ssyncadd.s32 $0xFFFFC000  }
0x92: {  	[hbm4b:s9+s2] =	stream.linear.scatter [tilespmem:s23], [sflag:$0x8], $0x4000, $0x38;
	[tilespmem:$0x16400] =	vst v63  }
0x93: {  	_ =	swait.ge [sflag:s29], $0x4000  }
0x94: {  	[sflag:s29] =	ssyncset.done $0x0  }
0x95: {  	[sflag:s29] =	ssyncadd.s32 $0xFFFFC000  }
0x96: {  	[tilespmem:s18], [sflag:$0x1] =	stream.indirect.gather [hbm4b:s3+s17], $0x80, s1, s17, $0xb8;
	[tilespmem:$0x16400] =	vst v63  }
0x97: {  	_ =	swait.ge [sflag:s30], $0x4000  }
0x98: {  	[sflag:s30] =	ssyncset.done $0x0  }
0x99: {  	[sflag:s30] =	ssyncadd.s32 $0xFFFFC000  }
0x9a: {  	[tilespmem:s19], [sflag:$0x2] =	stream.indirect.gather [hbm4b:s3+s17], $0x80, s1, s17, $0xb8;
	[tilespmem:$0x16400] =	vst v63  }
0x9b: {  	_ =	swait.ge [sflag:s31], $0x4000  }
0x9c: {  	[sflag:s31] =	ssyncset.done $0x0  }
0x9d: {  	[sflag:s31] =	ssyncadd.s32 $0xFFFFC000  }
0x9e: {  	[tilespmem:s21], [sflag:$0x3] =	stream.indirect.gather [hbm4b:s3+s17], $0x80, s1, s17, $0xb8;
	[tilespmem:$0x16400] =	vst v63  }
0x9f: {  	_ =	swait.ge [sflag:s0], $0x4000  }
0xa0: {  	[sflag:s0] =	ssyncset.done $0x0  }
0xa1: {  	[sflag:s0] =	ssyncadd.s32 $0xFFFFC000  }
0xa2: {  	[tilespmem:s23], [sflag:$0x4] =	stream.indirect.gather [hbm4b:s3+s17], $0x80, s1, s17, $0xb8;
	[tilespmem:$0x16400] =	vst v63  }
0xa3: {  	_ =	swait.ge [sflag:s24], $0x4000  }
0xa4: {  	[sflag:s24] =	ssyncset.done $0x0  }
0xa5: {  	[sflag:s24] =	ssyncadd.s32 $0xFFFFC000  }
0xa6: {  	_ =	swait.ge [sflag:s25], $0x4000  }
0xa7: {  	[sflag:s25] =	ssyncset.done $0x0  }
0xa8: {  	[sflag:s25] =	ssyncadd.s32 $0xFFFFC000  }
0xa9: {  	_ =	swait.ge [sflag:s26], $0x4000  }
0xaa: {  	[sflag:s26] =	ssyncset.done $0x0  }
0xab: {  	[sflag:s26] =	ssyncadd.s32 $0xFFFFC000  }
0xac: {  	_ =	swait.ge [sflag:s28], $0x4000  }
0xad: {  	s20 =	sadd.s32 $0x1, s20;
	s22 =	rddreg [dreg:$0x4]  }
0xae: {  	p0 =	sne.s32 s20, s22  }
.Ltmp1:
0xaf: {  	_ = 	snop;
	(pc) =	sbr.rel @p0 .LBB2_1-.Ltmp1, $3  }
0xb0: {  	_ =	sdelay $0x1  }
0xb1: {  	[sflag:s28] =	ssyncset.done $0x0  }
0xb2: {  	[sflag:s28] =	ssyncadd.s32 $0xFFFFC000  }
0xb3: {  	_ =	sfence.sel $0x180000  }
0xb4: {  	[bflag:$0x0] =	sbarrier.arrive $0xFFFF  }
0xb5: {  	_ =	strace $0x90000047  }
0xb6: {  	s0 =	stileid.u32;
	[bflag:$0x2] =	sbarrier.arrive $0xFFFF  }
0xb7: {  	p0 =	sne.s32 s0, $0x0;
	s0 =	rddreg [dreg:$0x2]  }
0xb8: {  	s0 =	sadd.s32 @!p0 $0x100000, s0  }
0xb9: {  	[sflag:s0] =	ssyncadd.tile.s32 @!p0 $0x1;
	_ =	shalt  }
.Lfunc_end2:
_tile_overlayer_lowered:
.L_overlay_start_2:
0xba: {  	(tag) =	ssettag $0x2  }
0xbb: {  	s0 =	rddreg [dreg:$0x0];
	s2 =	stileid.u32  }
0xbc: {  	s1 =	rddreg [dreg:$0x1];
	p0 =	sne.s32 s2, $0x0  }
0xbd: {  	s3 =	rddreg [dreg:$0x2];
	[bflag:$0x3] =	sbarrier.arrive $0xFFFF;
	s2 =	simm.s32 @!p0 $0x1C09  }
0xbe: {  	[timem:s3], [sflag:s2] =	dma.local @!p0 [hbm:s0], s1  }
0xbf: {  	s0 =	simm.s32 @!p0 $0x9  }
0xc0: {  	_ =	swait.ge @!p0 [sflag:s0], s1  }
0xc1: {  	s1 =	ssub.s32 @!p0 $0x0, s1;
	[sflag:s0] =	ssyncset.done @!p0 $0x0  }
0xc2: {  	[sflag:s0] =	ssyncadd.s32 @!p0 s1  }
0xc3: {  	[bflag:$0x3] =	sbarrier.arrive $0xFFFF  }
0xc4: {  	_ =	shalt  }

// kernel: sparse-core-data-format-call.cloned.1.call-start
scs
called_computation_lowered:
.L_overlay_start_0:
0x0: {  	s2 =	sld [smem:$0x3FD9]  }
0x1: {  	s3 =	sld [smem:$0x3FFE];
	_ =	sdelay $0x1  }
0x2: {  	s1 =	srdreg.scid  }
0x3: {  	s0 =	sand.u32 $0x1, s1  }
0x4: {  	s18 =	sshll.u32 s0, $0xA;
	s2 =	sadd.s32 s3, s2  }
0x5: {  	s2 =	sadd.s32 s2, s18  }
0x6: {  	[smem:$0x3FC6] =	sst s2  }
0x7: {  	_ = 	snop  }
0x8: {  	s2 =	sld [smem:$0x3FD0];
	(tm) =	ssettm $0x1  }
0x9: {  	s19 =	sld [smem:$0x3FFB];
	_ =	sdelay $0x3  }
0xa: {  	_ =	strace s19  }
0xb: {  	s3 =	sld [smem:$0x3FFC];
	_ =	sdelay $0x3  }
0xc: {  	_ =	strace s3  }
0xd: {  	s3 =	sld [smem:$0x3FFD];
	_ =	sdelay $0x3  }
0xe: {  	_ =	strace s3  }
0xf: {  	_ =	strace $0x8FFFFFFF  }
0x10: {  	s20 =	sld [smem:$0x3FDB];
	_ =	sdelay $0x1  }
0x11: {  	s4 =	simm.s32 $_scs_section_size  }
0x12: {  	s5 =	simm.s32 $_size__tile_overlayer_lowered;
	s6 =	simm.s32 $_tile_overlayer_lowered  }
0x13: {  	s23 =	simm.s32 $0x1BFF;
	s22 =	sshll.u32 s6, $0x1;
	s3 =	sadd.s32 s4, s20  }
0x14: {  	s7 =	simm.s32 $0x0;
	s21 =	sshll.u32 s5, $0x1;
	s5 =	sadd.s32 s22, s3  }
0x15: {  	[timem:s7], [sflag:s23] =	dma.local [hbm:s5], s21  }
0x16: {  	_ =	swait.ge [sflag:s23], s21  }
0x17: {  	s4 =	ssub.s32 $0x0, s21;
	[sflag:s23] =	ssyncset.done $0x0  }
0x18: {  	[sflag:s23] =	ssyncadd.s32 s4;
	_ =	sdelay $0x1  }
0x19: {  	s24 =	simm.s32 $0x1B8B  }
0x1a: {  	_ =	swait.ge [sflag:s24], $0x1  }
0x1b: {  	[sflag:s24] =	ssyncset.done $0x0  }
0x1c: {  	s26 =	simm.s32 $0x1B8E;
	s25 =	sld [smem:$0x3FFE];
	[sflag:s24] =	ssyncadd.s32 $0xFFFFFFFF  }
0x1d: {  	s27 =	simm.s32 $execute0_lowered;
	[smem:$0x3FD2] =	sst s26  }
0x1e: {  	s5 =	sshll.u32 s27, $0x1;
	_ =	strace $0x80000049;
	[dreg:$0x1] =	wrdreg $0xFFFFFFFF  }
0x1f: {  	s28 =	simm.s32 $_size_execute0_lowered;
	s3 =	sadd.s32 s3, s5;
	[dreg:$0x0] =	wrdreg $0x0  }
0x20: {  	s5 =	sshll.u32 s28, $0x1;
	[dreg:$0x2] =	wrdreg s3  }
0x21: {  	[dreg:$0x3] =	wrdreg s5  }
0x22: {  	[dreg:$0x4] =	wrdreg $0xC0  }
0x23: {  	_ =	task [dreg:s7], $0x5FFFF  }
0x24: {  	[dreg:$0x1] =	wrdreg $0xFFFFFFFF  }
0x25: {  	[dreg:$0x0] =	wrdreg $0x60  }
0x26: {  	[dreg:$0x2] =	wrdreg s25  }
0x27: {  	[dreg:$0x3] =	wrdreg s2  }
0x28: {  	[dreg:$0x4] =	wrdreg $0x9  }
0x29: {  	_ =	task.clear_ibuf [dreg:s7], $0x5FFFF;
	_ =	strace $0x90000049  }
0x2a: {  	s29 =	simm.s32 $0x9;
	_ =	strace $0x8000004B  }
0x2b: {  	_ =	swait.ge [sflag:s29], $0x1  }
0x2c: {  	[sflag:s29] =	ssyncadd.s32 $0xFFFFFFFF  }
0x2d: {  	_ =	strace $0x9000004B  }
0x2e: {  	_ =	sfence  }
0x2f: {  	s30 =	sld [smem:$0x0];
	_ =	sdelay $0x2  }
0x30: {  	s31 =	sshll.u32 s1, $0xD;
	s1 =	sshrl.u32 s1, $0x2  }
0x31: {  	s3 =	sand.u32 $0x4000, s31;
	s1 =	sadd.s32 s1, s30  }
0x32: {  	s0 =	sor.u32 s3, s0;
	s1 =	sshll.u32 s1, $0x11  }
0x33: {  	s0 =	sor.u32 s1, s0  }
0x34: {  	s0 =	sadd.s32 $0x8F2B, s0  }
0x35: {  	[sflag:s0] =	ssyncadd.remote.s32 $0x1  }
0x36: {  	_ =	sfence.sel $0xFFFF  }
0x37: {  	[dreg:$0x0] =	wrdreg $0xFFFFFFFF;
	(pc) =	sbr.abs _section_cstart, $3  }
0x38: {  	[dreg:$0x1] =	wrdreg $0xFFFFFFFF  }
0x39: {  	_ =	task.clear_ibuf [dreg:s7], $0x2FFFF;
	_ =	strace $0x9FFFFFFF  }
0x3a: {  	(tm) =	ssettm $0x7FFFFFFF  }
0x3b: {  	_ =	shalt  }
tec
execute0_lowered:
.L_overlay_start_1:
0x0: {  	(tag) =	ssettag $0x1  }
0x1: {  	s0 =	srdreg.scid  }
0x2: {  	s1 =	sshll.u32 s0, $0x4  }
0x3: {  	s0 =	stileid.u32;
	s1 =	sand.u32 $0x10, s1  }
0x4: {  	s1 =	sor.u32 s0, s1  }
0x5: {  	s6 =	rddreg [dreg:$0x0];
	s4 =	simm.s32 $0x1;
	s2 =	sshll.u32 s1, $0x7  }
0x6: {  	s7 =	simm.s32 $0x2;
	s12 =	simm.s32 $0x0;
	s1 =	ssub.s32 $0x1000, s2  }
0x7: {  	s8 =	simm.s32 $0x8000;
	s13 =	simm.s32 $0x0;
	s3 =	sand.u32 $0xF80, s1  }
0x8: {  	s9 =	simm.s32 $0x0;
	s5 =	sshrl.u32 s1, $0xC;
	p0 =	sne.s32 s3, $0x0  }
.Ltmp0:
0x9: {  	s1 =	rddreg [dreg:$0x2];
	s4 =	simm.s32 @!p0 $0x0;
	(pc) =	sbr.rel .LBB1_1-.Ltmp0, $4  }
0xa: {  	s11 =	simm.s32 $0x0;
	s3 =	rddreg [dreg:$0x1];
	s5 =	sadd.s32 s4, s5  }
0xb: {  	_ =	strace $0x8000004A;
	s4 =	simm.s32 $0x1;
	s5 =	smul.u32 $0xC8, s5  }
0xc: {  	s6 =	sadd.s32 $0xF42C00, s6;
	s10 =	smov.u32 s2;
	[sflag:s4] =	ssyncpa.u1 $0x0  }
0xd: {  	p0 =	por $0x0, $0x0;
	[sflag:s7] =	ssyncpa.u1 $0x0;
	s7 =	sor.u32 $0x1, s5  }
.LBB1_4:
0xe: {  	s16 =	sshll.u32 s13, $0x3;
	s17 =	sand.u32 $0x78, s13  }
0xf: {  	s30 =	sand.u32 $0x7E00, s13;
	s12 =	sshll.u32 s12, $0xF;
	s16 =	sand.u32 $0xC00, s16  }
0x10: {  	[tilespmem:s15+$0x810 ss:$0x81] =	vst.msk $0xffff, v2;
	s31 =	sand.u32 $0x7, s13;
	s16 =	sor.u32 s17, s16;
	s17 =	sadd.s32 s3, s30  }
0x11: {  	[tilespmem:s15+$0x1020 ss:$0x81] =	vst.msk $0xffff, v0;
	s13 =	sshll.u32 s31, $0x12;
	s12 =	sadd.s32 s12, s17;
	s16 =	sshrl.u32 s16, $0x3  }
0x12: {  	[tilespmem:s15+$0x0 ss:$0x81] =	vst.msk $0xffff, v1;
	s13 =	sor.u32 $0x400, s13;
	s12 =	sadd.s32 s16, s12  }
0x13: {  	[hbm4b:s12+s13] =	stream.strided.scatter [tilespmem:s14], [sflag:$0x2], $0x2000, s8, s13, $0x20;
	[tilespmem:$0x8080] =	vst v63  }
.LBB1_5:
0x14: {  	s14 =	sadd.s32 $0x1, s9  }
0x15: {  	s12 =	sadd.s32 $0x1000, s10;
	s16 =	smov.u32 s10;
	p2 =	sgt.s32 s14, $0xC7  }
0x16: {  	s16 =	smov.u32 @p2 s12  }
0x17: {  	s14 =	simm.s32 @p2 $0x0;
	p2 =	sgt.s32 s16, $0xFFF  }
0x18: {  	s16 =	smov.u32 @p2 s2;
	p2 =	sne.s32 s11, s7  }
.Ltmp1:
0x19: {  	p1 =	slt.u32 s11, $0x2;
	(pc) =	sbr.rel @!p2 .LBB1_6-.Ltmp1, $4  }
0x1a: {  	s15 =	simm.s32 @!p1 $0x2  }
0x1b: {  	s13 =	smov.u32 s10;
	p0 =	por !p0, !p0;
	_ =	swait.ge @!p1 [sflag:s15], $0x2000  }
0x1c: {  	s12 =	smov.u32 s9;
	[sflag:s15] =	ssyncset.done @!p1 $0x0;
	s9 =	smov.u32 s14  }
0x1d: {  	s11 =	sadd.s32 $0x1, s11;
	[sflag:s15] =	ssyncadd.s32 @!p1 $0xFFFFE000;
	s10 =	smov.u32 s16  }
.LBB1_1:
0x1e: {  	p1 =	sge.u32 s11, s5  }
0x1f: {  	s14 =	sand.u32 @!p1 $0x1FFFFFF, s9  }
0x20: {  	s15 =	smulhi.u32 @!p1 $0x147AE15, s14;
	_ =	sdelay $0x1  }
0x21: {  	s15 =	smul.u32 @!p1 $0xC8, s15  }
0x22: {  	s16 =	sxor.u32 @!p1 $0xFFFFFFFF, s11;
	s17 =	smul.u32 @!p1 $0xC80, s10  }
0x23: {  	s31 =	sadd.s32 $0xFFFFFFFF, s11;
	s16 =	sshll.u32 @!p1 s16, $0xD;
	s14 =	ssub.s32 @!p1 s14, s15  }
0x24: {  	s15 =	sand.u32 @!p1 $0x2000, s16;
	s16 =	sadd.s32 @!p1 s6, s17;
	s14 =	sshll.u32 @!p1 s14, $0x4  }
0x25: {  	s17 =	simm.s32 @!p1 $0x6400;
	s14 =	sadd.s32 @!p1 s14, s16;
	s16 =	simm.s32 @!p1 $0x40  }
0x26: {  	[tilespmem:s15], [sflag:$0x1] =	stream.strided.gather @!p1 [hbm4b:s14+s16], $0x2000, s17, s16, $0x38;
	[tilespmem:$0x8080] =	vst v63  }
0x27: {  	p1 =	sge.u32 s31, s5  }
.Ltmp2:
0x28: {  	_ = 	snop;
	(pc) =	sbr.rel @p1 .LBB1_5-.Ltmp2, $1  }
0x29: {  	_ =	sdelay $0x3  }
0x2a: {  	s14 =	simm.s32 $0x1  }
0x2b: {  	_ =	swait.ge [sflag:s4], $0x2000;
	s14 =	simm.s32 @!p0 $0x0  }
0x2c: {  	[sflag:s4] =	ssyncset.done $0x0;
	s15 =	sshll.u32 s14, $0xD  }
0x2d: {  	[sflag:s4] =	ssyncadd.s32 $0xFFFFE000;
	s18 =	sor.u32 $0x20, s15  }
0x2e: {  	s14 =	smul.u32 $0x8100, s14;
	v3 =	vld [tilespmem:s18+$0x10]  }
0x2f: {  	s30 =	sand.u32 $0x1, s11;
	v2 =	vld [tilespmem:s18+$0xFFFFFFF0]  }
0x30: {  	s15 =	smul.u32 $0x8100, s30;
	s14 =	sshrl.u32 s14, $0x2;
	v0 =	vld [tilespmem:s18+$0x0]  }
0x31: {  	v1 =	vld [tilespmem:s18+$0xFFFFFFE0];
	s16 =	sor.u32 $0x4000, s14  }
0x32: {  	s31 =	sshrl.u32 s15, $0x2;
	s15 =	sadd.s32 $0x0, s16  }
0x33: {  	s17 =	simm.s32 $0x4;
	s18 =	sadd.s32 $0x40, s18;
	s14 =	sor.u32 $0x4000, s31;
	[tilespmem:s15+$0x1830 ss:$0x81] =	vst.msk $0xffff, v3  }
.LBB1_3:
0x34: {  	v3 =	vld [tilespmem:s18+$0x10];
	p1 =	sne.s32 s17, $0x1FC;
	[tilespmem:s15+$0x810 ss:$0x81] =	vst.msk $0xffff, v2;
	s19 =	smov.u32 s17;
	s17 =	sadd.s32 $0x4, s17  }
.Ltmp3:
0x35: {  	v2 =	vld [tilespmem:s18+$0xFFFFFFF0];
	[tilespmem:s15+$0x1020 ss:$0x81] =	vst.msk $0xffff, v0;
	(pc) =	sbr.rel @p1 .LBB1_3-.Ltmp3, $4  }
0x36: {  	v0 =	vld [tilespmem:s18+$0x0];
	[tilespmem:s15+$0x0 ss:$0x81] =	vst.msk $0xffff, v1  }
0x37: {  	s15 =	sshra.s32 s19, $0x2;
	v1 =	vld [tilespmem:s18+$0xFFFFFFE0]  }
0x38: {  	s15 =	sadd.s32 s15, s16  }
0x39: {  	s18 =	sadd.s32 $0x40, s18;
	[tilespmem:s15+$0x1830 ss:$0x81] =	vst.msk $0xffff, v3  }
.Ltmp4:
0x3a: {  	_ = 	snop;
	(pc) =	sbr.rel .LBB1_4-.Ltmp4, $1  }
0x3b: {  	_ =	sdelay $0x3  }
.LBB1_6:
0x3c: {  	_ =	sfence.sel $0x180000  }
0x3d: {  	s2 =	simm.s32 $0x1;
	[bflag:$0x0] =	sbarrier.arrive $0xFFFF  }
0x3e: {  	s31 =	simm.s32 $0x2;
	[sflag:s2] =	ssyncpa.u1 $0x1  }
0x3f: {  	[sflag:s31] =	ssyncpa.u1 $0x1  }
0x40: {  	p0 =	sne.s32 s0, $0x0;
	_ =	strace $0x9000004A  }
0x41: {  	s0 =	sadd.s32 @!p0 $0x100000, s1;
	[bflag:$0x2] =	sbarrier.arrive $0xFFFF  }
0x42: {  	[sflag:s0] =	ssyncadd.tile.s32 @!p0 $0x1;
	_ =	shalt  }
.Lfunc_end1:
_tile_overlayer_lowered:
.L_overlay_start_2:
0x43: {  	(tag) =	ssettag $0x2  }
0x44: {  	s0 =	rddreg [dreg:$0x0];
	s2 =	stileid.u32  }
0x45: {  	s1 =	rddreg [dreg:$0x1];
	p0 =	sne.s32 s2, $0x0  }
0x46: {  	s3 =	rddreg [dreg:$0x2];
	[bflag:$0x3] =	sbarrier.arrive $0xFFFF;
	s2 =	simm.s32 @!p0 $0x1C01  }
0x47: {  	[timem:s3], [sflag:s2] =	dma.local @!p0 [hbm:s0], s1  }
0x48: {  	s0 =	simm.s32 @!p0 $0x1  }
0x49: {  	_ =	swait.ge @!p0 [sflag:s0], s1  }
0x4a: {  	s1 =	ssub.s32 @!p0 $0x0, s1;
	[sflag:s0] =	ssyncset.done @!p0 $0x0  }
0x4b: {  	[sflag:s0] =	ssyncadd.s32 @!p0 s1  }
0x4c: {  	[bflag:$0x3] =	sbarrier.arrive $0xFFFF  }
0x4d: {  	_ =	shalt  }

</sc_bundles>
